<compile_context>
chip_gen: v7x
topology: tpu7x:2x2x1
jax: 0.10.2.dev20260603
libtpu: 0.0.44.dev20260713+nightly
codegen_flags: <defaults>
</compile_context>

<pallas_src>
import functools
import jax
import jax.numpy as jnp
from jax import lax
from jax.experimental import pallas as pl
from jax.experimental.pallas import tpu as pltpu
from jax.experimental.pallas import tpu_sc as plsc

N_EXP = 16
BLK = 1024
LCH = 128


def _logits_body(x_ref, w_ref, b_ref, lt_ref, cv_ref, esum_ref):
    i = pl.program_id(0)
    nblk = pl.num_programs(0)

    @pl.when(i == 0)
    def _init():
        esum_ref[...] = jnp.zeros_like(esum_ref)

    logits = jnp.dot(x_ref[...], w_ref[...], preferred_element_type=jnp.float32)
    lt = logits.T + b_ref[...]
    lt_ref[...] = lt

    m = jnp.max(lt, axis=0, keepdims=True)
    e = jnp.exp(lt - m)
    s = jnp.sum(e, axis=0, keepdims=True)
    p = e / s
    pc = p.reshape(N_EXP, BLK // LCH, LCH)
    esum_ref[...] += jnp.sum(pc, axis=1)

    @pl.when(i == nblk - 1)
    def _finish():
        sums = jnp.sum(esum_ref[...], axis=1, keepdims=True)
        f = sums / jnp.sum(sums)
        mean = jnp.sum(f) / N_EXP
        var = jnp.sum((f - mean) ** 2) / N_EXP
        cv_ref[...] = jnp.sqrt(var).reshape(1, 1) / mean


def _make_sc_router(n, n_workers, t_per_w):
    mesh = plsc.VectorSubcoreMesh(core_axis_name="c", subcore_axis_name="s")

    @functools.partial(
        pl.kernel, mesh=mesh,
        out_type=[
            jax.ShapeDtypeStruct((2, n), jnp.float32),
            jax.ShapeDtypeStruct((2, n), jnp.int32),
        ],
        scratch_types=[
            pltpu.VMEM((N_EXP, t_per_w), jnp.float32),
            pltpu.VMEM((2, t_per_w), jnp.float32),
            pltpu.VMEM((2, t_per_w), jnp.int32),
        ],
    )
    def sc_router(lt_hbm, wout_hbm, iout_hbm, lt_v, w_v, i_v):
        wid = lax.axis_index("s") * 2 + lax.axis_index("c")
        base = wid * t_per_w
        for ex in range(N_EXP):
            pltpu.sync_copy(lt_hbm.at[ex, pl.ds(base, t_per_w)],
                            lt_v.at[ex, :])

        def group(g, carry):
            t0 = g * 16
            vs = [lt_v[ex, pl.ds(t0, 16)] for ex in range(N_EXP)]
            m1 = vs[0]
            i1 = jnp.zeros((16,), jnp.int32)
            for ex in range(1, N_EXP):
                gt = vs[ex] > m1
                m1 = jnp.where(gt, vs[ex], m1)
                i1 = jnp.where(gt, ex, i1)
            m2 = jnp.full((16,), -jnp.inf, jnp.float32)
            i2 = jnp.zeros((16,), jnp.int32)
            for ex in range(N_EXP):
                ok = (vs[ex] > m2) & (i1 != ex)
                m2 = jnp.where(ok, vs[ex], m2)
                i2 = jnp.where(ok, ex, i2)
            e2 = jnp.exp(m2 - m1)
            w1 = 1.0 / (1.0 + e2)
            w2 = e2 * w1
            w_v[0, pl.ds(t0, 16)] = w1
            w_v[1, pl.ds(t0, 16)] = w2
            i_v[0, pl.ds(t0, 16)] = i1
            i_v[1, pl.ds(t0, 16)] = i2
            return carry

        lax.fori_loop(0, t_per_w // 16, group, 0)

        for r in range(2):
            pltpu.sync_copy(w_v.at[r, :], wout_hbm.at[r, pl.ds(base, t_per_w)])
            pltpu.sync_copy(i_v.at[r, :], iout_hbm.at[r, pl.ds(base, t_per_w)])

    return sc_router


def kernel(x, W, b):
    B, T, d = x.shape
    n = B * T
    x_flat = x.reshape(n, d)
    b2 = b.reshape(N_EXP, 1)
    nblk = n // BLK

    lt_t, cv = pl.pallas_call(
        _logits_body,
        grid=(nblk,),
        in_specs=[
            pl.BlockSpec((BLK, d), lambda i: (i, 0)),
            pl.BlockSpec((d, N_EXP), lambda i: (0, 0)),
            pl.BlockSpec((N_EXP, 1), lambda i: (0, 0)),
        ],
        out_specs=[
            pl.BlockSpec((N_EXP, BLK), lambda i: (0, i)),
            pl.BlockSpec((1, 1), lambda i: (0, 0)),
        ],
        out_shape=[
            jax.ShapeDtypeStruct((N_EXP, n), jnp.float32),
            jax.ShapeDtypeStruct((1, 1), jnp.float32),
        ],
        scratch_shapes=[pltpu.VMEM((N_EXP, LCH), jnp.float32)],
    )(x_flat, W, b2)

    n_workers = 32
    t_per_w = n // n_workers
    wout_t, iout_t = _make_sc_router(n, n_workers, t_per_w)(lt_t)

    wout = wout_t.T.reshape(B, T, 2)
    iout = iout_t.T.reshape(B, T, 2)
    return (wout, iout, cv.reshape(()))

# --- scband reference (transcript-rebuilt; emitter-appended) ---
"""Pipeline reference for scband-top-krouter-51625506897932 (READ-ONLY COPY).

The authoritative reference and input builder live on the scoring server;
editing this copy changes nothing except your own understanding.
"""

import jax, jax.numpy as jnp
import numpy as np

D_MODEL = 2048
NUM_EXPERTS = 16
TOP_K = 2

def setup_inputs(seed: int = 0) -> dict:
    key = jax.random.key(seed)
    k1, k2 = jax.random.split(key, 2)
    x = jax.random.normal(k1, (4, 4096, D_MODEL), dtype=jnp.float32)
    # nn.Linear(d_model, num_experts): weight [E, d_model], bias [E]; store transposed for x @ W
    W = jax.random.normal(k2, (D_MODEL, NUM_EXPERTS), dtype=jnp.float32) * (1.0 / np.sqrt(D_MODEL))
    b = jnp.zeros((NUM_EXPERTS,), dtype=jnp.float32)
    return {"x": x, "W": W, "b": b}

def reference(x, W, b):
    B, T, d = x.shape
    x_flat = x.reshape(-1, d)
    logits = x_flat @ W + b
    prob_scores = jax.nn.softmax(logits, axis=-1)
    top_k_values, top_k_indices = jax.lax.top_k(prob_scores, TOP_K)
    top_k_weights = top_k_values / jnp.sum(top_k_values, axis=-1, keepdims=True)
    expert_weights = top_k_weights.reshape(B, T, TOP_K)
    expert_indices = top_k_indices.reshape(B, T, TOP_K)
    # aux loss (use_aux_loss=True, training mode): coefficient of variation of expert fractions
    experts = prob_scores.sum(axis=0)
    experts_fractions = experts / experts.sum()
    cv = jnp.std(experts_fractions) / jnp.mean(experts_fractions)
    return (expert_weights, expert_indices, cv)

if __name__ == "__main__":
    import jax
    _d = setup_inputs()
    print(jax.jit(kernel)(*tuple(_d.values())))

</pallas_src>

<mosaic_0001>
#map = affine_map<(d0, d1) -> (0, 0)>
module attributes {stable_mosaic.version = 14 : i64} {
  func.func @sc_router(%arg0: i32, %arg1: i32, %arg2: memref<16x16384xf32, #tpu.memory_space<hbm>>, %arg3: memref<2x16384xf32, #tpu.memory_space<hbm>>, %arg4: memref<2x16384xi32, #tpu.memory_space<hbm>>, %arg5: memref<16x512xf32, #tpu.memory_space<vmem>>, %arg6: memref<2x512xf32, #tpu.memory_space<vmem>>, %arg7: memref<2x512xi32, #tpu.memory_space<vmem>>) attributes {dimension_semantics = [#tpu.dimension_semantics<core_parallel>, #tpu.dimension_semantics<subcore_parallel>], iteration_bounds = array<i64: 2, 16>, scalar_prefetch = 0 : i64, scratch_operands = 3 : i64, tpu.core_type = #tpu.core_type<sc_vector_subcore>, window_params = [{transform_indices = #map}, {transform_indices = #map}, {transform_indices = #map}]} {
    %mul3A = arith.constant 2 : i32
    %mul3A_0 = arith.muli %arg1, %mul3A : i32
    %add3A = arith.addi %mul3A_0, %arg0 : i32
    %mul3A_1 = arith.constant 512 : i32
    %mul3A_2 = arith.muli %add3A, %mul3A_1 : i32
    %run_scoped3A = arith.constant 0 : i32
    %run_scoped3A_3 = arith.constant 0 : i32
    "tpu.region"() ({
      %run_scoped3A_47 = tpu.sem_alloc : memref<!tpu.dma_semaphore, #tpu.memory_space<semaphore_mem>>
      %dma_start3A = arith.constant 0 : i32
      %dma_start3A_48 = tpu.memref_slice %arg5[%run_scoped3A_3, %dma_start3A] : memref<16x512xf32, #tpu.memory_space<vmem>> -> memref<1x512xf32, #tpu.memory_space<vmem>>
      %dma_start3A_49 = tpu.memref_squeeze %dma_start3A_48 : memref<1x512xf32, #tpu.memory_space<vmem>> -> memref<512xf32, #tpu.memory_space<vmem>>
      %dma_start3A_50 = tpu.memref_slice %arg2[%run_scoped3A, %mul3A_2] : memref<16x16384xf32, #tpu.memory_space<hbm>> -> memref<1x512xf32, #tpu.memory_space<hbm>>
      %dma_start3A_51 = tpu.memref_squeeze %dma_start3A_50 : memref<1x512xf32, #tpu.memory_space<hbm>> -> memref<512xf32, #tpu.memory_space<hbm>>
      %dma_start3A_52 = arith.constant 0 : i32
      %dma_start3A_53 = tpu.memref_slice %arg5[%run_scoped3A_3, %dma_start3A_52] : memref<16x512xf32, #tpu.memory_space<vmem>> -> memref<1x512xf32, #tpu.memory_space<vmem>>
      %dma_start3A_54 = tpu.memref_squeeze %dma_start3A_53 : memref<1x512xf32, #tpu.memory_space<vmem>> -> memref<512xf32, #tpu.memory_space<vmem>>
      %dma_start3A_55 = tpu.memref_slice %arg2[%run_scoped3A, %mul3A_2] : memref<16x16384xf32, #tpu.memory_space<hbm>> -> memref<1x512xf32, #tpu.memory_space<hbm>>
      %dma_start3A_56 = tpu.memref_squeeze %dma_start3A_55 : memref<1x512xf32, #tpu.memory_space<hbm>> -> memref<512xf32, #tpu.memory_space<hbm>>
      tpu.enqueue_dma source(%dma_start3A_56 : memref<512xf32, #tpu.memory_space<hbm>>) target(%dma_start3A_54 : memref<512xf32, #tpu.memory_space<vmem>>) target_semaphore(%run_scoped3A_47 : memref<!tpu.dma_semaphore, #tpu.memory_space<semaphore_mem>>)
      %dma_wait3A = arith.constant 0 : i32
      %dma_wait3A_57 = tpu.memref_slice %arg5[%run_scoped3A_3, %dma_wait3A] : memref<16x512xf32, #tpu.memory_space<vmem>> -> memref<1x512xf32, #tpu.memory_space<vmem>>
      %dma_wait3A_58 = tpu.memref_squeeze %dma_wait3A_57 : memref<1x512xf32, #tpu.memory_space<vmem>> -> memref<512xf32, #tpu.memory_space<vmem>>
      %dma_wait3A_59 = tpu.memref_slice %arg2[%run_scoped3A, %mul3A_2] : memref<16x16384xf32, #tpu.memory_space<hbm>> -> memref<1x512xf32, #tpu.memory_space<hbm>>
      %dma_wait3A_60 = tpu.memref_squeeze %dma_wait3A_59 : memref<1x512xf32, #tpu.memory_space<hbm>> -> memref<512xf32, #tpu.memory_space<hbm>>
      %dma_wait3A_61 = arith.constant 0 : i32
      %dma_wait3A_62 = tpu.memref_slice %arg5[%run_scoped3A_3, %dma_wait3A_61] : memref<16x512xf32, #tpu.memory_space<vmem>> -> memref<1x512xf32, #tpu.memory_space<vmem>>
      %dma_wait3A_63 = tpu.memref_squeeze %dma_wait3A_62 : memref<1x512xf32, #tpu.memory_space<vmem>> -> memref<512xf32, #tpu.memory_space<vmem>>
      %dma_wait3A_64 = tpu.memref_slice %arg2[%run_scoped3A, %mul3A_2] : memref<16x16384xf32, #tpu.memory_space<hbm>> -> memref<1x512xf32, #tpu.memory_space<hbm>>
      %dma_wait3A_65 = tpu.memref_squeeze %dma_wait3A_64 : memref<1x512xf32, #tpu.memory_space<hbm>> -> memref<512xf32, #tpu.memory_space<hbm>>
      tpu.wait_dma2 semaphore(%run_scoped3A_47 : memref<!tpu.dma_semaphore, #tpu.memory_space<semaphore_mem>>) src(%dma_wait3A_65 : memref<512xf32, #tpu.memory_space<hbm>>) dst(%dma_wait3A_63 : memref<512xf32, #tpu.memory_space<vmem>>)
      tpu.yield
    }) : () -> ()
    %run_scoped3A_4 = arith.constant 1 : i32
    %run_scoped3A_5 = arith.constant 1 : i32
    "tpu.region"() ({
      %run_scoped3A_47 = tpu.sem_alloc : memref<!tpu.dma_semaphore, #tpu.memory_space<semaphore_mem>>
      %dma_start3A = arith.constant 0 : i32
      %dma_start3A_48 = tpu.memref_slice %arg5[%run_scoped3A_5, %dma_start3A] : memref<16x512xf32, #tpu.memory_space<vmem>> -> memref<1x512xf32, #tpu.memory_space<vmem>>
      %dma_start3A_49 = tpu.memref_squeeze %dma_start3A_48 : memref<1x512xf32, #tpu.memory_space<vmem>> -> memref<512xf32, #tpu.memory_space<vmem>>
      %dma_start3A_50 = tpu.memref_slice %arg2[%run_scoped3A_4, %mul3A_2] : memref<16x16384xf32, #tpu.memory_space<hbm>> -> memref<1x512xf32, #tpu.memory_space<hbm>>
      %dma_start3A_51 = tpu.memref_squeeze %dma_start3A_50 : memref<1x512xf32, #tpu.memory_space<hbm>> -> memref<512xf32, #tpu.memory_space<hbm>>
      %dma_start3A_52 = arith.constant 0 : i32
      %dma_start3A_53 = tpu.memref_slice %arg5[%run_scoped3A_5, %dma_start3A_52] : memref<16x512xf32, #tpu.memory_space<vmem>> -> memref<1x512xf32, #tpu.memory_space<vmem>>
      %dma_start3A_54 = tpu.memref_squeeze %dma_start3A_53 : memref<1x512xf32, #tpu.memory_space<vmem>> -> memref<512xf32, #tpu.memory_space<vmem>>
      %dma_start3A_55 = tpu.memref_slice %arg2[%run_scoped3A_4, %mul3A_2] : memref<16x16384xf32, #tpu.memory_space<hbm>> -> memref<1x512xf32, #tpu.memory_space<hbm>>
      %dma_start3A_56 = tpu.memref_squeeze %dma_start3A_55 : memref<1x512xf32, #tpu.memory_space<hbm>> -> memref<512xf32, #tpu.memory_space<hbm>>
      tpu.enqueue_dma source(%dma_start3A_56 : memref<512xf32, #tpu.memory_space<hbm>>) target(%dma_start3A_54 : memref<512xf32, #tpu.memory_space<vmem>>) target_semaphore(%run_scoped3A_47 : memref<!tpu.dma_semaphore, #tpu.memory_space<semaphore_mem>>)
      %dma_wait3A = arith.constant 0 : i32
      %dma_wait3A_57 = tpu.memref_slice %arg5[%run_scoped3A_5, %dma_wait3A] : memref<16x512xf32, #tpu.memory_space<vmem>> -> memref<1x512xf32, #tpu.memory_space<vmem>>
      %dma_wait3A_58 = tpu.memref_squeeze %dma_wait3A_57 : memref<1x512xf32, #tpu.memory_space<vmem>> -> memref<512xf32, #tpu.memory_space<vmem>>
      %dma_wait3A_59 = tpu.memref_slice %arg2[%run_scoped3A_4, %mul3A_2] : memref<16x16384xf32, #tpu.memory_space<hbm>> -> memref<1x512xf32, #tpu.memory_space<hbm>>
      %dma_wait3A_60 = tpu.memref_squeeze %dma_wait3A_59 : memref<1x512xf32, #tpu.memory_space<hbm>> -> memref<512xf32, #tpu.memory_space<hbm>>
      %dma_wait3A_61 = arith.constant 0 : i32
      %dma_wait3A_62 = tpu.memref_slice %arg5[%run_scoped3A_5, %dma_wait3A_61] : memref<16x512xf32, #tpu.memory_space<vmem>> -> memref<1x512xf32, #tpu.memory_space<vmem>>
      %dma_wait3A_63 = tpu.memref_squeeze %dma_wait3A_62 : memref<1x512xf32, #tpu.memory_space<vmem>> -> memref<512xf32, #tpu.memory_space<vmem>>
      %dma_wait3A_64 = tpu.memref_slice %arg2[%run_scoped3A_4, %mul3A_2] : memref<16x16384xf32, #tpu.memory_space<hbm>> -> memref<1x512xf32, #tpu.memory_space<hbm>>
      %dma_wait3A_65 = tpu.memref_squeeze %dma_wait3A_64 : memref<1x512xf32, #tpu.memory_space<hbm>> -> memref<512xf32, #tpu.memory_space<hbm>>
      tpu.wait_dma2 semaphore(%run_scoped3A_47 : memref<!tpu.dma_semaphore, #tpu.memory_space<semaphore_mem>>) src(%dma_wait3A_65 : memref<512xf32, #tpu.memory_space<hbm>>) dst(%dma_wait3A_63 : memref<512xf32, #tpu.memory_space<vmem>>)
      tpu.yield
    }) : () -> ()
    %run_scoped3A_6 = arith.constant 2 : i32
    %run_scoped3A_7 = arith.constant 2 : i32
    "tpu.region"() ({
      %run_scoped3A_47 = tpu.sem_alloc : memref<!tpu.dma_semaphore, #tpu.memory_space<semaphore_mem>>
      %dma_start3A = arith.constant 0 : i32
      %dma_start3A_48 = tpu.memref_slice %arg5[%run_scoped3A_7, %dma_start3A] : memref<16x512xf32, #tpu.memory_space<vmem>> -> memref<1x512xf32, #tpu.memory_space<vmem>>
      %dma_start3A_49 = tpu.memref_squeeze %dma_start3A_48 : memref<1x512xf32, #tpu.memory_space<vmem>> -> memref<512xf32, #tpu.memory_space<vmem>>
      %dma_start3A_50 = tpu.memref_slice %arg2[%run_scoped3A_6, %mul3A_2] : memref<16x16384xf32, #tpu.memory_space<hbm>> -> memref<1x512xf32, #tpu.memory_space<hbm>>
      %dma_start3A_51 = tpu.memref_squeeze %dma_start3A_50 : memref<1x512xf32, #tpu.memory_space<hbm>> -> memref<512xf32, #tpu.memory_space<hbm>>
      %dma_start3A_52 = arith.constant 0 : i32
      %dma_start3A_53 = tpu.memref_slice %arg5[%run_scoped3A_7, %dma_start3A_52] : memref<16x512xf32, #tpu.memory_space<vmem>> -> memref<1x512xf32, #tpu.memory_space<vmem>>
      %dma_start3A_54 = tpu.memref_squeeze %dma_start3A_53 : memref<1x512xf32, #tpu.memory_space<vmem>> -> memref<512xf32, #tpu.memory_space<vmem>>
      %dma_start3A_55 = tpu.memref_slice %arg2[%run_scoped3A_6, %mul3A_2] : memref<16x16384xf32, #tpu.memory_space<hbm>> -> memref<1x512xf32, #tpu.memory_space<hbm>>
      %dma_start3A_56 = tpu.memref_squeeze %dma_start3A_55 : memref<1x512xf32, #tpu.memory_space<hbm>> -> memref<512xf32, #tpu.memory_space<hbm>>
      tpu.enqueue_dma source(%dma_start3A_56 : memref<512xf32, #tpu.memory_space<hbm>>) target(%dma_start3A_54 : memref<512xf32, #tpu.memory_space<vmem>>) target_semaphore(%run_scoped3A_47 : memref<!tpu.dma_semaphore, #tpu.memory_space<semaphore_mem>>)
      %dma_wait3A = arith.constant 0 : i32
      %dma_wait3A_57 = tpu.memref_slice %arg5[%run_scoped3A_7, %dma_wait3A] : memref<16x512xf32, #tpu.memory_space<vmem>> -> memref<1x512xf32, #tpu.memory_space<vmem>>
      %dma_wait3A_58 = tpu.memref_squeeze %dma_wait3A_57 : memref<1x512xf32, #tpu.memory_space<vmem>> -> memref<512xf32, #tpu.memory_space<vmem>>
      %dma_wait3A_59 = tpu.memref_slice %arg2[%run_scoped3A_6, %mul3A_2] : memref<16x16384xf32, #tpu.memory_space<hbm>> -> memref<1x512xf32, #tpu.memory_space<hbm>>
      %dma_wait3A_60 = tpu.memref_squeeze %dma_wait3A_59 : memref<1x512xf32, #tpu.memory_space<hbm>> -> memref<512xf32, #tpu.memory_space<hbm>>
      %dma_wait3A_61 = arith.constant 0 : i32
      %dma_wait3A_62 = tpu.memref_slice %arg5[%run_scoped3A_7, %dma_wait3A_61] : memref<16x512xf32, #tpu.memory_space<vmem>> -> memref<1x512xf32, #tpu.memory_space<vmem>>
      %dma_wait3A_63 = tpu.memref_squeeze %dma_wait3A_62 : memref<1x512xf32, #tpu.memory_space<vmem>> -> memref<512xf32, #tpu.memory_space<vmem>>
      %dma_wait3A_64 = tpu.memref_slice %arg2[%run_scoped3A_6, %mul3A_2] : memref<16x16384xf32, #tpu.memory_space<hbm>> -> memref<1x512xf32, #tpu.memory_space<hbm>>
      %dma_wait3A_65 = tpu.memref_squeeze %dma_wait3A_64 : memref<1x512xf32, #tpu.memory_space<hbm>> -> memref<512xf32, #tpu.memory_space<hbm>>
      tpu.wait_dma2 semaphore(%run_scoped3A_47 : memref<!tpu.dma_semaphore, #tpu.memory_space<semaphore_mem>>) src(%dma_wait3A_65 : memref<512xf32, #tpu.memory_space<hbm>>) dst(%dma_wait3A_63 : memref<512xf32, #tpu.memory_space<vmem>>)
      tpu.yield
    }) : () -> ()
    %run_scoped3A_8 = arith.constant 3 : i32
    %run_scoped3A_9 = arith.constant 3 : i32
    "tpu.region"() ({
      %run_scoped3A_47 = tpu.sem_alloc : memref<!tpu.dma_semaphore, #tpu.memory_space<semaphore_mem>>
      %dma_start3A = arith.constant 0 : i32
      %dma_start3A_48 = tpu.memref_slice %arg5[%run_scoped3A_9, %dma_start3A] : memref<16x512xf32, #tpu.memory_space<vmem>> -> memref<1x512xf32, #tpu.memory_space<vmem>>
      %dma_start3A_49 = tpu.memref_squeeze %dma_start3A_48 : memref<1x512xf32, #tpu.memory_space<vmem>> -> memref<512xf32, #tpu.memory_space<vmem>>
      %dma_start3A_50 = tpu.memref_slice %arg2[%run_scoped3A_8, %mul3A_2] : memref<16x16384xf32, #tpu.memory_space<hbm>> -> memref<1x512xf32, #tpu.memory_space<hbm>>
      %dma_start3A_51 = tpu.memref_squeeze %dma_start3A_50 : memref<1x512xf32, #tpu.memory_space<hbm>> -> memref<512xf32, #tpu.memory_space<hbm>>
      %dma_start3A_52 = arith.constant 0 : i32
      %dma_start3A_53 = tpu.memref_slice %arg5[%run_scoped3A_9, %dma_start3A_52] : memref<16x512xf32, #tpu.memory_space<vmem>> -> memref<1x512xf32, #tpu.memory_space<vmem>>
      %dma_start3A_54 = tpu.memref_squeeze %dma_start3A_53 : memref<1x512xf32, #tpu.memory_space<vmem>> -> memref<512xf32, #tpu.memory_space<vmem>>
      %dma_start3A_55 = tpu.memref_slice %arg2[%run_scoped3A_8, %mul3A_2] : memref<16x16384xf32, #tpu.memory_space<hbm>> -> memref<1x512xf32, #tpu.memory_space<hbm>>
      %dma_start3A_56 = tpu.memref_squeeze %dma_start3A_55 : memref<1x512xf32, #tpu.memory_space<hbm>> -> memref<512xf32, #tpu.memory_space<hbm>>
      tpu.enqueue_dma source(%dma_start3A_56 : memref<512xf32, #tpu.memory_space<hbm>>) target(%dma_start3A_54 : memref<512xf32, #tpu.memory_space<vmem>>) target_semaphore(%run_scoped3A_47 : memref<!tpu.dma_semaphore, #tpu.memory_space<semaphore_mem>>)
      %dma_wait3A = arith.constant 0 : i32
      %dma_wait3A_57 = tpu.memref_slice %arg5[%run_scoped3A_9, %dma_wait3A] : memref<16x512xf32, #tpu.memory_space<vmem>> -> memref<1x512xf32, #tpu.memory_space<vmem>>
      %dma_wait3A_58 = tpu.memref_squeeze %dma_wait3A_57 : memref<1x512xf32, #tpu.memory_space<vmem>> -> memref<512xf32, #tpu.memory_space<vmem>>
      %dma_wait3A_59 = tpu.memref_slice %arg2[%run_scoped3A_8, %mul3A_2] : memref<16x16384xf32, #tpu.memory_space<hbm>> -> memref<1x512xf32, #tpu.memory_space<hbm>>
      %dma_wait3A_60 = tpu.memref_squeeze %dma_wait3A_59 : memref<1x512xf32, #tpu.memory_space<hbm>> -> memref<512xf32, #tpu.memory_space<hbm>>
      %dma_wait3A_61 = arith.constant 0 : i32
      %dma_wait3A_62 = tpu.memref_slice %arg5[%run_scoped3A_9, %dma_wait3A_61] : memref<16x512xf32, #tpu.memory_space<vmem>> -> memref<1x512xf32, #tpu.memory_space<vmem>>
      %dma_wait3A_63 = tpu.memref_squeeze %dma_wait3A_62 : memref<1x512xf32, #tpu.memory_space<vmem>> -> memref<512xf32, #tpu.memory_space<vmem>>
      %dma_wait3A_64 = tpu.memref_slice %arg2[%run_scoped3A_8, %mul3A_2] : memref<16x16384xf32, #tpu.memory_space<hbm>> -> memref<1x512xf32, #tpu.memory_space<hbm>>
      %dma_wait3A_65 = tpu.memref_squeeze %dma_wait3A_64 : memref<1x512xf32, #tpu.memory_space<hbm>> -> memref<512xf32, #tpu.memory_space<hbm>>
      tpu.wait_dma2 semaphore(%run_scoped3A_47 : memref<!tpu.dma_semaphore, #tpu.memory_space<semaphore_mem>>) src(%dma_wait3A_65 : memref<512xf32, #tpu.memory_space<hbm>>) dst(%dma_wait3A_63 : memref<512xf32, #tpu.memory_space<vmem>>)
      tpu.yield
    }) : () -> ()
    %run_scoped3A_10 = arith.constant 4 : i32
    %run_scoped3A_11 = arith.constant 4 : i32
    "tpu.region"() ({
      %run_scoped3A_47 = tpu.sem_alloc : memref<!tpu.dma_semaphore, #tpu.memory_space<semaphore_mem>>
      %dma_start3A = arith.constant 0 : i32
      %dma_start3A_48 = tpu.memref_slice %arg5[%run_scoped3A_11, %dma_start3A] : memref<16x512xf32, #tpu.memory_space<vmem>> -> memref<1x512xf32, #tpu.memory_space<vmem>>
      %dma_start3A_49 = tpu.memref_squeeze %dma_start3A_48 : memref<1x512xf32, #tpu.memory_space<vmem>> -> memref<512xf32, #tpu.memory_space<vmem>>
      %dma_start3A_50 = tpu.memref_slice %arg2[%run_scoped3A_10, %mul3A_2] : memref<16x16384xf32, #tpu.memory_space<hbm>> -> memref<1x512xf32, #tpu.memory_space<hbm>>
      %dma_start3A_51 = tpu.memref_squeeze %dma_start3A_50 : memref<1x512xf32, #tpu.memory_space<hbm>> -> memref<512xf32, #tpu.memory_space<hbm>>
      %dma_start3A_52 = arith.constant 0 : i32
      %dma_start3A_53 = tpu.memref_slice %arg5[%run_scoped3A_11, %dma_start3A_52] : memref<16x512xf32, #tpu.memory_space<vmem>> -> memref<1x512xf32, #tpu.memory_space<vmem>>
      %dma_start3A_54 = tpu.memref_squeeze %dma_start3A_53 : memref<1x512xf32, #tpu.memory_space<vmem>> -> memref<512xf32, #tpu.memory_space<vmem>>
      %dma_start3A_55 = tpu.memref_slice %arg2[%run_scoped3A_10, %mul3A_2] : memref<16x16384xf32, #tpu.memory_space<hbm>> -> memref<1x512xf32, #tpu.memory_space<hbm>>
      %dma_start3A_56 = tpu.memref_squeeze %dma_start3A_55 : memref<1x512xf32, #tpu.memory_space<hbm>> -> memref<512xf32, #tpu.memory_space<hbm>>
      tpu.enqueue_dma source(%dma_start3A_56 : memref<512xf32, #tpu.memory_space<hbm>>) target(%dma_start3A_54 : memref<512xf32, #tpu.memory_space<vmem>>) target_semaphore(%run_scoped3A_47 : memref<!tpu.dma_semaphore, #tpu.memory_space<semaphore_mem>>)
      %dma_wait3A = arith.constant 0 : i32
      %dma_wait3A_57 = tpu.memref_slice %arg5[%run_scoped3A_11, %dma_wait3A] : memref<16x512xf32, #tpu.memory_space<vmem>> -> memref<1x512xf32, #tpu.memory_space<vmem>>
      %dma_wait3A_58 = tpu.memref_squeeze %dma_wait3A_57 : memref<1x512xf32, #tpu.memory_space<vmem>> -> memref<512xf32, #tpu.memory_space<vmem>>
      %dma_wait3A_59 = tpu.memref_slice %arg2[%run_scoped3A_10, %mul3A_2] : memref<16x16384xf32, #tpu.memory_space<hbm>> -> memref<1x512xf32, #tpu.memory_space<hbm>>
      %dma_wait3A_60 = tpu.memref_squeeze %dma_wait3A_59 : memref<1x512xf32, #tpu.memory_space<hbm>> -> memref<512xf32, #tpu.memory_space<hbm>>
      %dma_wait3A_61 = arith.constant 0 : i32
      %dma_wait3A_62 = tpu.memref_slice %arg5[%run_scoped3A_11, %dma_wait3A_61] : memref<16x512xf32, #tpu.memory_space<vmem>> -> memref<1x512xf32, #tpu.memory_space<vmem>>
      %dma_wait3A_63 = tpu.memref_squeeze %dma_wait3A_62 : memref<1x512xf32, #tpu.memory_space<vmem>> -> memref<512xf32, #tpu.memory_space<vmem>>
      %dma_wait3A_64 = tpu.memref_slice %arg2[%run_scoped3A_10, %mul3A_2] : memref<16x16384xf32, #tpu.memory_space<hbm>> -> memref<1x512xf32, #tpu.memory_space<hbm>>
      %dma_wait3A_65 = tpu.memref_squeeze %dma_wait3A_64 : memref<1x512xf32, #tpu.memory_space<hbm>> -> memref<512xf32, #tpu.memory_space<hbm>>
      tpu.wait_dma2 semaphore(%run_scoped3A_47 : memref<!tpu.dma_semaphore, #tpu.memory_space<semaphore_mem>>) src(%dma_wait3A_65 : memref<512xf32, #tpu.memory_space<hbm>>) dst(%dma_wait3A_63 : memref<512xf32, #tpu.memory_space<vmem>>)
      tpu.yield
    }) : () -> ()
    %run_scoped3A_12 = arith.constant 5 : i32
    %run_scoped3A_13 = arith.constant 5 : i32
    "tpu.region"() ({
      %run_scoped3A_47 = tpu.sem_alloc : memref<!tpu.dma_semaphore, #tpu.memory_space<semaphore_mem>>
      %dma_start3A = arith.constant 0 : i32
      %dma_start3A_48 = tpu.memref_slice %arg5[%run_scoped3A_13, %dma_start3A] : memref<16x512xf32, #tpu.memory_space<vmem>> -> memref<1x512xf32, #tpu.memory_space<vmem>>
      %dma_start3A_49 = tpu.memref_squeeze %dma_start3A_48 : memref<1x512xf32, #tpu.memory_space<vmem>> -> memref<512xf32, #tpu.memory_space<vmem>>
      %dma_start3A_50 = tpu.memref_slice %arg2[%run_scoped3A_12, %mul3A_2] : memref<16x16384xf32, #tpu.memory_space<hbm>> -> memref<1x512xf32, #tpu.memory_space<hbm>>
      %dma_start3A_51 = tpu.memref_squeeze %dma_start3A_50 : memref<1x512xf32, #tpu.memory_space<hbm>> -> memref<512xf32, #tpu.memory_space<hbm>>
      %dma_start3A_52 = arith.constant 0 : i32
      %dma_start3A_53 = tpu.memref_slice %arg5[%run_scoped3A_13, %dma_start3A_52] : memref<16x512xf32, #tpu.memory_space<vmem>> -> memref<1x512xf32, #tpu.memory_space<vmem>>
      %dma_start3A_54 = tpu.memref_squeeze %dma_start3A_53 : memref<1x512xf32, #tpu.memory_space<vmem>> -> memref<512xf32, #tpu.memory_space<vmem>>
      %dma_start3A_55 = tpu.memref_slice %arg2[%run_scoped3A_12, %mul3A_2] : memref<16x16384xf32, #tpu.memory_space<hbm>> -> memref<1x512xf32, #tpu.memory_space<hbm>>
      %dma_start3A_56 = tpu.memref_squeeze %dma_start3A_55 : memref<1x512xf32, #tpu.memory_space<hbm>> -> memref<512xf32, #tpu.memory_space<hbm>>
      tpu.enqueue_dma source(%dma_start3A_56 : memref<512xf32, #tpu.memory_space<hbm>>) target(%dma_start3A_54 : memref<512xf32, #tpu.memory_space<vmem>>) target_semaphore(%run_scoped3A_47 : memref<!tpu.dma_semaphore, #tpu.memory_space<semaphore_mem>>)
      %dma_wait3A = arith.constant 0 : i32
      %dma_wait3A_57 = tpu.memref_slice %arg5[%run_scoped3A_13, %dma_wait3A] : memref<16x512xf32, #tpu.memory_space<vmem>> -> memref<1x512xf32, #tpu.memory_space<vmem>>
      %dma_wait3A_58 = tpu.memref_squeeze %dma_wait3A_57 : memref<1x512xf32, #tpu.memory_space<vmem>> -> memref<512xf32, #tpu.memory_space<vmem>>
      %dma_wait3A_59 = tpu.memref_slice %arg2[%run_scoped3A_12, %mul3A_2] : memref<16x16384xf32, #tpu.memory_space<hbm>> -> memref<1x512xf32, #tpu.memory_space<hbm>>
      %dma_wait3A_60 = tpu.memref_squeeze %dma_wait3A_59 : memref<1x512xf32, #tpu.memory_space<hbm>> -> memref<512xf32, #tpu.memory_space<hbm>>
      %dma_wait3A_61 = arith.constant 0 : i32
      %dma_wait3A_62 = tpu.memref_slice %arg5[%run_scoped3A_13, %dma_wait3A_61] : memref<16x512xf32, #tpu.memory_space<vmem>> -> memref<1x512xf32, #tpu.memory_space<vmem>>
      %dma_wait3A_63 = tpu.memref_squeeze %dma_wait3A_62 : memref<1x512xf32, #tpu.memory_space<vmem>> -> memref<512xf32, #tpu.memory_space<vmem>>
      %dma_wait3A_64 = tpu.memref_slice %arg2[%run_scoped3A_12, %mul3A_2] : memref<16x16384xf32, #tpu.memory_space<hbm>> -> memref<1x512xf32, #tpu.memory_space<hbm>>
      %dma_wait3A_65 = tpu.memref_squeeze %dma_wait3A_64 : memref<1x512xf32, #tpu.memory_space<hbm>> -> memref<512xf32, #tpu.memory_space<hbm>>
      tpu.wait_dma2 semaphore(%run_scoped3A_47 : memref<!tpu.dma_semaphore, #tpu.memory_space<semaphore_mem>>) src(%dma_wait3A_65 : memref<512xf32, #tpu.memory_space<hbm>>) dst(%dma_wait3A_63 : memref<512xf32, #tpu.memory_space<vmem>>)
      tpu.yield
    }) : () -> ()
    %run_scoped3A_14 = arith.constant 6 : i32
    %run_scoped3A_15 = arith.constant 6 : i32
    "tpu.region"() ({
      %run_scoped3A_47 = tpu.sem_alloc : memref<!tpu.dma_semaphore, #tpu.memory_space<semaphore_mem>>
      %dma_start3A = arith.constant 0 : i32
      %dma_start3A_48 = tpu.memref_slice %arg5[%run_scoped3A_15, %dma_start3A] : memref<16x512xf32, #tpu.memory_space<vmem>> -> memref<1x512xf32, #tpu.memory_space<vmem>>
      %dma_start3A_49 = tpu.memref_squeeze %dma_start3A_48 : memref<1x512xf32, #tpu.memory_space<vmem>> -> memref<512xf32, #tpu.memory_space<vmem>>
      %dma_start3A_50 = tpu.memref_slice %arg2[%run_scoped3A_14, %mul3A_2] : memref<16x16384xf32, #tpu.memory_space<hbm>> -> memref<1x512xf32, #tpu.memory_space<hbm>>
      %dma_start3A_51 = tpu.memref_squeeze %dma_start3A_50 : memref<1x512xf32, #tpu.memory_space<hbm>> -> memref<512xf32, #tpu.memory_space<hbm>>
      %dma_start3A_52 = arith.constant 0 : i32
      %dma_start3A_53 = tpu.memref_slice %arg5[%run_scoped3A_15, %dma_start3A_52] : memref<16x512xf32, #tpu.memory_space<vmem>> -> memref<1x512xf32, #tpu.memory_space<vmem>>
      %dma_start3A_54 = tpu.memref_squeeze %dma_start3A_53 : memref<1x512xf32, #tpu.memory_space<vmem>> -> memref<512xf32, #tpu.memory_space<vmem>>
      %dma_start3A_55 = tpu.memref_slice %arg2[%run_scoped3A_14, %mul3A_2] : memref<16x16384xf32, #tpu.memory_space<hbm>> -> memref<1x512xf32, #tpu.memory_space<hbm>>
      %dma_start3A_56 = tpu.memref_squeeze %dma_start3A_55 : memref<1x512xf32, #tpu.memory_space<hbm>> -> memref<512xf32, #tpu.memory_space<hbm>>
      tpu.enqueue_dma source(%dma_start3A_56 : memref<512xf32, #tpu.memory_space<hbm>>) target(%dma_start3A_54 : memref<512xf32, #tpu.memory_space<vmem>>) target_semaphore(%run_scoped3A_47 : memref<!tpu.dma_semaphore, #tpu.memory_space<semaphore_mem>>)
      %dma_wait3A = arith.constant 0 : i32
      %dma_wait3A_57 = tpu.memref_slice %arg5[%run_scoped3A_15, %dma_wait3A] : memref<16x512xf32, #tpu.memory_space<vmem>> -> memref<1x512xf32, #tpu.memory_space<vmem>>
      %dma_wait3A_58 = tpu.memref_squeeze %dma_wait3A_57 : memref<1x512xf32, #tpu.memory_space<vmem>> -> memref<512xf32, #tpu.memory_space<vmem>>
      %dma_wait3A_59 = tpu.memref_slice %arg2[%run_scoped3A_14, %mul3A_2] : memref<16x16384xf32, #tpu.memory_space<hbm>> -> memref<1x512xf32, #tpu.memory_space<hbm>>
      %dma_wait3A_60 = tpu.memref_squeeze %dma_wait3A_59 : memref<1x512xf32, #tpu.memory_space<hbm>> -> memref<512xf32, #tpu.memory_space<hbm>>
      %dma_wait3A_61 = arith.constant 0 : i32
      %dma_wait3A_62 = tpu.memref_slice %arg5[%run_scoped3A_15, %dma_wait3A_61] : memref<16x512xf32, #tpu.memory_space<vmem>> -> memref<1x512xf32, #tpu.memory_space<vmem>>
      %dma_wait3A_63 = tpu.memref_squeeze %dma_wait3A_62 : memref<1x512xf32, #tpu.memory_space<vmem>> -> memref<512xf32, #tpu.memory_space<vmem>>
      %dma_wait3A_64 = tpu.memref_slice %arg2[%run_scoped3A_14, %mul3A_2] : memref<16x16384xf32, #tpu.memory_space<hbm>> -> memref<1x512xf32, #tpu.memory_space<hbm>>
      %dma_wait3A_65 = tpu.memref_squeeze %dma_wait3A_64 : memref<1x512xf32, #tpu.memory_space<hbm>> -> memref<512xf32, #tpu.memory_space<hbm>>
      tpu.wait_dma2 semaphore(%run_scoped3A_47 : memref<!tpu.dma_semaphore, #tpu.memory_space<semaphore_mem>>) src(%dma_wait3A_65 : memref<512xf32, #tpu.memory_space<hbm>>) dst(%dma_wait3A_63 : memref<512xf32, #tpu.memory_space<vmem>>)
      tpu.yield
    }) : () -> ()
    %run_scoped3A_16 = arith.constant 7 : i32
    %run_scoped3A_17 = arith.constant 7 : i32
    "tpu.region"() ({
      %run_scoped3A_47 = tpu.sem_alloc : memref<!tpu.dma_semaphore, #tpu.memory_space<semaphore_mem>>
      %dma_start3A = arith.constant 0 : i32
      %dma_start3A_48 = tpu.memref_slice %arg5[%run_scoped3A_17, %dma_start3A] : memref<16x512xf32, #tpu.memory_space<vmem>> -> memref<1x512xf32, #tpu.memory_space<vmem>>
      %dma_start3A_49 = tpu.memref_squeeze %dma_start3A_48 : memref<1x512xf32, #tpu.memory_space<vmem>> -> memref<512xf32, #tpu.memory_space<vmem>>
      %dma_start3A_50 = tpu.memref_slice %arg2[%run_scoped3A_16, %mul3A_2] : memref<16x16384xf32, #tpu.memory_space<hbm>> -> memref<1x512xf32, #tpu.memory_space<hbm>>
      %dma_start3A_51 = tpu.memref_squeeze %dma_start3A_50 : memref<1x512xf32, #tpu.memory_space<hbm>> -> memref<512xf32, #tpu.memory_space<hbm>>
      %dma_start3A_52 = arith.constant 0 : i32
      %dma_start3A_53 = tpu.memref_slice %arg5[%run_scoped3A_17, %dma_start3A_52] : memref<16x512xf32, #tpu.memory_space<vmem>> -> memref<1x512xf32, #tpu.memory_space<vmem>>
      %dma_start3A_54 = tpu.memref_squeeze %dma_start3A_53 : memref<1x512xf32, #tpu.memory_space<vmem>> -> memref<512xf32, #tpu.memory_space<vmem>>
      %dma_start3A_55 = tpu.memref_slice %arg2[%run_scoped3A_16, %mul3A_2] : memref<16x16384xf32, #tpu.memory_space<hbm>> -> memref<1x512xf32, #tpu.memory_space<hbm>>
      %dma_start3A_56 = tpu.memref_squeeze %dma_start3A_55 : memref<1x512xf32, #tpu.memory_space<hbm>> -> memref<512xf32, #tpu.memory_space<hbm>>
      tpu.enqueue_dma source(%dma_start3A_56 : memref<512xf32, #tpu.memory_space<hbm>>) target(%dma_start3A_54 : memref<512xf32, #tpu.memory_space<vmem>>) target_semaphore(%run_scoped3A_47 : memref<!tpu.dma_semaphore, #tpu.memory_space<semaphore_mem>>)
      %dma_wait3A = arith.constant 0 : i32
      %dma_wait3A_57 = tpu.memref_slice %arg5[%run_scoped3A_17, %dma_wait3A] : memref<16x512xf32, #tpu.memory_space<vmem>> -> memref<1x512xf32, #tpu.memory_space<vmem>>
      %dma_wait3A_58 = tpu.memref_squeeze %dma_wait3A_57 : memref<1x512xf32, #tpu.memory_space<vmem>> -> memref<512xf32, #tpu.memory_space<vmem>>
      %dma_wait3A_59 = tpu.memref_slice %arg2[%run_scoped3A_16, %mul3A_2] : memref<16x16384xf32, #tpu.memory_space<hbm>> -> memref<1x512xf32, #tpu.memory_space<hbm>>
      %dma_wait3A_60 = tpu.memref_squeeze %dma_wait3A_59 : memref<1x512xf32, #tpu.memory_space<hbm>> -> memref<512xf32, #tpu.memory_space<hbm>>
      %dma_wait3A_61 = arith.constant 0 : i32
      %dma_wait3A_62 = tpu.memref_slice %arg5[%run_scoped3A_17, %dma_wait3A_61] : memref<16x512xf32, #tpu.memory_space<vmem>> -> memref<1x512xf32, #tpu.memory_space<vmem>>
      %dma_wait3A_63 = tpu.memref_squeeze %dma_wait3A_62 : memref<1x512xf32, #tpu.memory_space<vmem>> -> memref<512xf32, #tpu.memory_space<vmem>>
      %dma_wait3A_64 = tpu.memref_slice %arg2[%run_scoped3A_16, %mul3A_2] : memref<16x16384xf32, #tpu.memory_space<hbm>> -> memref<1x512xf32, #tpu.memory_space<hbm>>
      %dma_wait3A_65 = tpu.memref_squeeze %dma_wait3A_64 : memref<1x512xf32, #tpu.memory_space<hbm>> -> memref<512xf32, #tpu.memory_space<hbm>>
      tpu.wait_dma2 semaphore(%run_scoped3A_47 : memref<!tpu.dma_semaphore, #tpu.memory_space<semaphore_mem>>) src(%dma_wait3A_65 : memref<512xf32, #tpu.memory_space<hbm>>) dst(%dma_wait3A_63 : memref<512xf32, #tpu.memory_space<vmem>>)
      tpu.yield
    }) : () -> ()
    %run_scoped3A_18 = arith.constant 8 : i32
    %run_scoped3A_19 = arith.constant 8 : i32
    "tpu.region"() ({
      %run_scoped3A_47 = tpu.sem_alloc : memref<!tpu.dma_semaphore, #tpu.memory_space<semaphore_mem>>
      %dma_start3A = arith.constant 0 : i32
      %dma_start3A_48 = tpu.memref_slice %arg5[%run_scoped3A_19, %dma_start3A] : memref<16x512xf32, #tpu.memory_space<vmem>> -> memref<1x512xf32, #tpu.memory_space<vmem>>
      %dma_start3A_49 = tpu.memref_squeeze %dma_start3A_48 : memref<1x512xf32, #tpu.memory_space<vmem>> -> memref<512xf32, #tpu.memory_space<vmem>>
      %dma_start3A_50 = tpu.memref_slice %arg2[%run_scoped3A_18, %mul3A_2] : memref<16x16384xf32, #tpu.memory_space<hbm>> -> memref<1x512xf32, #tpu.memory_space<hbm>>
      %dma_start3A_51 = tpu.memref_squeeze %dma_start3A_50 : memref<1x512xf32, #tpu.memory_space<hbm>> -> memref<512xf32, #tpu.memory_space<hbm>>
      %dma_start3A_52 = arith.constant 0 : i32
      %dma_start3A_53 = tpu.memref_slice %arg5[%run_scoped3A_19, %dma_start3A_52] : memref<16x512xf32, #tpu.memory_space<vmem>> -> memref<1x512xf32, #tpu.memory_space<vmem>>
      %dma_start3A_54 = tpu.memref_squeeze %dma_start3A_53 : memref<1x512xf32, #tpu.memory_space<vmem>> -> memref<512xf32, #tpu.memory_space<vmem>>
      %dma_start3A_55 = tpu.memref_slice %arg2[%run_scoped3A_18, %mul3A_2] : memref<16x16384xf32, #tpu.memory_space<hbm>> -> memref<1x512xf32, #tpu.memory_space<hbm>>
      %dma_start3A_56 = tpu.memref_squeeze %dma_start3A_55 : memref<1x512xf32, #tpu.memory_space<hbm>> -> memref<512xf32, #tpu.memory_space<hbm>>
      tpu.enqueue_dma source(%dma_start3A_56 : memref<512xf32, #tpu.memory_space<hbm>>) target(%dma_start3A_54 : memref<512xf32, #tpu.memory_space<vmem>>) target_semaphore(%run_scoped3A_47 : memref<!tpu.dma_semaphore, #tpu.memory_space<semaphore_mem>>)
      %dma_wait3A = arith.constant 0 : i32
      %dma_wait3A_57 = tpu.memref_slice %arg5[%run_scoped3A_19, %dma_wait3A] : memref<16x512xf32, #tpu.memory_space<vmem>> -> memref<1x512xf32, #tpu.memory_space<vmem>>
      %dma_wait3A_58 = tpu.memref_squeeze %dma_wait3A_57 : memref<1x512xf32, #tpu.memory_space<vmem>> -> memref<512xf32, #tpu.memory_space<vmem>>
      %dma_wait3A_59 = tpu.memref_slice %arg2[%run_scoped3A_18, %mul3A_2] : memref<16x16384xf32, #tpu.memory_space<hbm>> -> memref<1x512xf32, #tpu.memory_space<hbm>>
      %dma_wait3A_60 = tpu.memref_squeeze %dma_wait3A_59 : memref<1x512xf32, #tpu.memory_space<hbm>> -> memref<512xf32, #tpu.memory_space<hbm>>
      %dma_wait3A_61 = arith.constant 0 : i32
      %dma_wait3A_62 = tpu.memref_slice %arg5[%run_scoped3A_19, %dma_wait3A_61] : memref<16x512xf32, #tpu.memory_space<vmem>> -> memref<1x512xf32, #tpu.memory_space<vmem>>
      %dma_wait3A_63 = tpu.memref_squeeze %dma_wait3A_62 : memref<1x512xf32, #tpu.memory_space<vmem>> -> memref<512xf32, #tpu.memory_space<vmem>>
      %dma_wait3A_64 = tpu.memref_slice %arg2[%run_scoped3A_18, %mul3A_2] : memref<16x16384xf32, #tpu.memory_space<hbm>> -> memref<1x512xf32, #tpu.memory_space<hbm>>
      %dma_wait3A_65 = tpu.memref_squeeze %dma_wait3A_64 : memref<1x512xf32, #tpu.memory_space<hbm>> -> memref<512xf32, #tpu.memory_space<hbm>>
      tpu.wait_dma2 semaphore(%run_scoped3A_47 : memref<!tpu.dma_semaphore, #tpu.memory_space<semaphore_mem>>) src(%dma_wait3A_65 : memref<512xf32, #tpu.memory_space<hbm>>) dst(%dma_wait3A_63 : memref<512xf32, #tpu.memory_space<vmem>>)
      tpu.yield
    }) : () -> ()
    %run_scoped3A_20 = arith.constant 9 : i32
    %run_scoped3A_21 = arith.constant 9 : i32
    "tpu.region"() ({
      %run_scoped3A_47 = tpu.sem_alloc : memref<!tpu.dma_semaphore, #tpu.memory_space<semaphore_mem>>
      %dma_start3A = arith.constant 0 : i32
      %dma_start3A_48 = tpu.memref_slice %arg5[%run_scoped3A_21, %dma_start3A] : memref<16x512xf32, #tpu.memory_space<vmem>> -> memref<1x512xf32, #tpu.memory_space<vmem>>
      %dma_start3A_49 = tpu.memref_squeeze %dma_start3A_48 : memref<1x512xf32, #tpu.memory_space<vmem>> -> memref<512xf32, #tpu.memory_space<vmem>>
      %dma_start3A_50 = tpu.memref_slice %arg2[%run_scoped3A_20, %mul3A_2] : memref<16x16384xf32, #tpu.memory_space<hbm>> -> memref<1x512xf32, #tpu.memory_space<hbm>>
      %dma_start3A_51 = tpu.memref_squeeze %dma_start3A_50 : memref<1x512xf32, #tpu.memory_space<hbm>> -> memref<512xf32, #tpu.memory_space<hbm>>
      %dma_start3A_52 = arith.constant 0 : i32
      %dma_start3A_53 = tpu.memref_slice %arg5[%run_scoped3A_21, %dma_start3A_52] : memref<16x512xf32, #tpu.memory_space<vmem>> -> memref<1x512xf32, #tpu.memory_space<vmem>>
      %dma_start3A_54 = tpu.memref_squeeze %dma_start3A_53 : memref<1x512xf32, #tpu.memory_space<vmem>> -> memref<512xf32, #tpu.memory_space<vmem>>
      %dma_start3A_55 = tpu.memref_slice %arg2[%run_scoped3A_20, %mul3A_2] : memref<16x16384xf32, #tpu.memory_space<hbm>> -> memref<1x512xf32, #tpu.memory_space<hbm>>
      %dma_start3A_56 = tpu.memref_squeeze %dma_start3A_55 : memref<1x512xf32, #tpu.memory_space<hbm>> -> memref<512xf32, #tpu.memory_space<hbm>>
      tpu.enqueue_dma source(%dma_start3A_56 : memref<512xf32, #tpu.memory_space<hbm>>) target(%dma_start3A_54 : memref<512xf32, #tpu.memory_space<vmem>>) target_semaphore(%run_scoped3A_47 : memref<!tpu.dma_semaphore, #tpu.memory_space<semaphore_mem>>)
      %dma_wait3A = arith.constant 0 : i32
      %dma_wait3A_57 = tpu.memref_slice %arg5[%run_scoped3A_21, %dma_wait3A] : memref<16x512xf32, #tpu.memory_space<vmem>> -> memref<1x512xf32, #tpu.memory_space<vmem>>
      %dma_wait3A_58 = tpu.memref_squeeze %dma_wait3A_57 : memref<1x512xf32, #tpu.memory_space<vmem>> -> memref<512xf32, #tpu.memory_space<vmem>>
      %dma_wait3A_59 = tpu.memref_slice %arg2[%run_scoped3A_20, %mul3A_2] : memref<16x16384xf32, #tpu.memory_space<hbm>> -> memref<1x512xf32, #tpu.memory_space<hbm>>
      %dma_wait3A_60 = tpu.memref_squeeze %dma_wait3A_59 : memref<1x512xf32, #tpu.memory_space<hbm>> -> memref<512xf32, #tpu.memory_space<hbm>>
      %dma_wait3A_61 = arith.constant 0 : i32
      %dma_wait3A_62 = tpu.memref_slice %arg5[%run_scoped3A_21, %dma_wait3A_61] : memref<16x512xf32, #tpu.memory_space<vmem>> -> memref<1x512xf32, #tpu.memory_space<vmem>>
      %dma_wait3A_63 = tpu.memref_squeeze %dma_wait3A_62 : memref<1x512xf32, #tpu.memory_space<vmem>> -> memref<512xf32, #tpu.memory_space<vmem>>
      %dma_wait3A_64 = tpu.memref_slice %arg2[%run_scoped3A_20, %mul3A_2] : memref<16x16384xf32, #tpu.memory_space<hbm>> -> memref<1x512xf32, #tpu.memory_space<hbm>>
      %dma_wait3A_65 = tpu.memref_squeeze %dma_wait3A_64 : memref<1x512xf32, #tpu.memory_space<hbm>> -> memref<512xf32, #tpu.memory_space<hbm>>
      tpu.wait_dma2 semaphore(%run_scoped3A_47 : memref<!tpu.dma_semaphore, #tpu.memory_space<semaphore_mem>>) src(%dma_wait3A_65 : memref<512xf32, #tpu.memory_space<hbm>>) dst(%dma_wait3A_63 : memref<512xf32, #tpu.memory_space<vmem>>)
      tpu.yield
    }) : () -> ()
    %run_scoped3A_22 = arith.constant 10 : i32
    %run_scoped3A_23 = arith.constant 10 : i32
    "tpu.region"() ({
      %run_scoped3A_47 = tpu.sem_alloc : memref<!tpu.dma_semaphore, #tpu.memory_space<semaphore_mem>>
      %dma_start3A = arith.constant 0 : i32
      %dma_start3A_48 = tpu.memref_slice %arg5[%run_scoped3A_23, %dma_start3A] : memref<16x512xf32, #tpu.memory_space<vmem>> -> memref<1x512xf32, #tpu.memory_space<vmem>>
      %dma_start3A_49 = tpu.memref_squeeze %dma_start3A_48 : memref<1x512xf32, #tpu.memory_space<vmem>> -> memref<512xf32, #tpu.memory_space<vmem>>
      %dma_start3A_50 = tpu.memref_slice %arg2[%run_scoped3A_22, %mul3A_2] : memref<16x16384xf32, #tpu.memory_space<hbm>> -> memref<1x512xf32, #tpu.memory_space<hbm>>
      %dma_start3A_51 = tpu.memref_squeeze %dma_start3A_50 : memref<1x512xf32, #tpu.memory_space<hbm>> -> memref<512xf32, #tpu.memory_space<hbm>>
      %dma_start3A_52 = arith.constant 0 : i32
      %dma_start3A_53 = tpu.memref_slice %arg5[%run_scoped3A_23, %dma_start3A_52] : memref<16x512xf32, #tpu.memory_space<vmem>> -> memref<1x512xf32, #tpu.memory_space<vmem>>
      %dma_start3A_54 = tpu.memref_squeeze %dma_start3A_53 : memref<1x512xf32, #tpu.memory_space<vmem>> -> memref<512xf32, #tpu.memory_space<vmem>>
      %dma_start3A_55 = tpu.memref_slice %arg2[%run_scoped3A_22, %mul3A_2] : memref<16x16384xf32, #tpu.memory_space<hbm>> -> memref<1x512xf32, #tpu.memory_space<hbm>>
      %dma_start3A_56 = tpu.memref_squeeze %dma_start3A_55 : memref<1x512xf32, #tpu.memory_space<hbm>> -> memref<512xf32, #tpu.memory_space<hbm>>
      tpu.enqueue_dma source(%dma_start3A_56 : memref<512xf32, #tpu.memory_space<hbm>>) target(%dma_start3A_54 : memref<512xf32, #tpu.memory_space<vmem>>) target_semaphore(%run_scoped3A_47 : memref<!tpu.dma_semaphore, #tpu.memory_space<semaphore_mem>>)
      %dma_wait3A = arith.constant 0 : i32
      %dma_wait3A_57 = tpu.memref_slice %arg5[%run_scoped3A_23, %dma_wait3A] : memref<16x512xf32, #tpu.memory_space<vmem>> -> memref<1x512xf32, #tpu.memory_space<vmem>>
      %dma_wait3A_58 = tpu.memref_squeeze %dma_wait3A_57 : memref<1x512xf32, #tpu.memory_space<vmem>> -> memref<512xf32, #tpu.memory_space<vmem>>
      %dma_wait3A_59 = tpu.memref_slice %arg2[%run_scoped3A_22, %mul3A_2] : memref<16x16384xf32, #tpu.memory_space<hbm>> -> memref<1x512xf32, #tpu.memory_space<hbm>>
      %dma_wait3A_60 = tpu.memref_squeeze %dma_wait3A_59 : memref<1x512xf32, #tpu.memory_space<hbm>> -> memref<512xf32, #tpu.memory_space<hbm>>
      %dma_wait3A_61 = arith.constant 0 : i32
      %dma_wait3A_62 = tpu.memref_slice %arg5[%run_scoped3A_23, %dma_wait3A_61] : memref<16x512xf32, #tpu.memory_space<vmem>> -> memref<1x512xf32, #tpu.memory_space<vmem>>
      %dma_wait3A_63 = tpu.memref_squeeze %dma_wait3A_62 : memref<1x512xf32, #tpu.memory_space<vmem>> -> memref<512xf32, #tpu.memory_space<vmem>>
      %dma_wait3A_64 = tpu.memref_slice %arg2[%run_scoped3A_22, %mul3A_2] : memref<16x16384xf32, #tpu.memory_space<hbm>> -> memref<1x512xf32, #tpu.memory_space<hbm>>
      %dma_wait3A_65 = tpu.memref_squeeze %dma_wait3A_64 : memref<1x512xf32, #tpu.memory_space<hbm>> -> memref<512xf32, #tpu.memory_space<hbm>>
      tpu.wait_dma2 semaphore(%run_scoped3A_47 : memref<!tpu.dma_semaphore, #tpu.memory_space<semaphore_mem>>) src(%dma_wait3A_65 : memref<512xf32, #tpu.memory_space<hbm>>) dst(%dma_wait3A_63 : memref<512xf32, #tpu.memory_space<vmem>>)
      tpu.yield
    }) : () -> ()
    %run_scoped3A_24 = arith.constant 11 : i32
    %run_scoped3A_25 = arith.constant 11 : i32
    "tpu.region"() ({
      %run_scoped3A_47 = tpu.sem_alloc : memref<!tpu.dma_semaphore, #tpu.memory_space<semaphore_mem>>
      %dma_start3A = arith.constant 0 : i32
      %dma_start3A_48 = tpu.memref_slice %arg5[%run_scoped3A_25, %dma_start3A] : memref<16x512xf32, #tpu.memory_space<vmem>> -> memref<1x512xf32, #tpu.memory_space<vmem>>
      %dma_start3A_49 = tpu.memref_squeeze %dma_start3A_48 : memref<1x512xf32, #tpu.memory_space<vmem>> -> memref<512xf32, #tpu.memory_space<vmem>>
      %dma_start3A_50 = tpu.memref_slice %arg2[%run_scoped3A_24, %mul3A_2] : memref<16x16384xf32, #tpu.memory_space<hbm>> -> memref<1x512xf32, #tpu.memory_space<hbm>>
      %dma_start3A_51 = tpu.memref_squeeze %dma_start3A_50 : memref<1x512xf32, #tpu.memory_space<hbm>> -> memref<512xf32, #tpu.memory_space<hbm>>
      %dma_start3A_52 = arith.constant 0 : i32
      %dma_start3A_53 = tpu.memref_slice %arg5[%run_scoped3A_25, %dma_start3A_52] : memref<16x512xf32, #tpu.memory_space<vmem>> -> memref<1x512xf32, #tpu.memory_space<vmem>>
      %dma_start3A_54 = tpu.memref_squeeze %dma_start3A_53 : memref<1x512xf32, #tpu.memory_space<vmem>> -> memref<512xf32, #tpu.memory_space<vmem>>
      %dma_start3A_55 = tpu.memref_slice %arg2[%run_scoped3A_24, %mul3A_2] : memref<16x16384xf32, #tpu.memory_space<hbm>> -> memref<1x512xf32, #tpu.memory_space<hbm>>
      %dma_start3A_56 = tpu.memref_squeeze %dma_start3A_55 : memref<1x512xf32, #tpu.memory_space<hbm>> -> memref<512xf32, #tpu.memory_space<hbm>>
      tpu.enqueue_dma source(%dma_start3A_56 : memref<512xf32, #tpu.memory_space<hbm>>) target(%dma_start3A_54 : memref<512xf32, #tpu.memory_space<vmem>>) target_semaphore(%run_scoped3A_47 : memref<!tpu.dma_semaphore, #tpu.memory_space<semaphore_mem>>)
      %dma_wait3A = arith.constant 0 : i32
      %dma_wait3A_57 = tpu.memref_slice %arg5[%run_scoped3A_25, %dma_wait3A] : memref<16x512xf32, #tpu.memory_space<vmem>> -> memref<1x512xf32, #tpu.memory_space<vmem>>
      %dma_wait3A_58 = tpu.memref_squeeze %dma_wait3A_57 : memref<1x512xf32, #tpu.memory_space<vmem>> -> memref<512xf32, #tpu.memory_space<vmem>>
      %dma_wait3A_59 = tpu.memref_slice %arg2[%run_scoped3A_24, %mul3A_2] : memref<16x16384xf32, #tpu.memory_space<hbm>> -> memref<1x512xf32, #tpu.memory_space<hbm>>
      %dma_wait3A_60 = tpu.memref_squeeze %dma_wait3A_59 : memref<1x512xf32, #tpu.memory_space<hbm>> -> memref<512xf32, #tpu.memory_space<hbm>>
      %dma_wait3A_61 = arith.constant 0 : i32
      %dma_wait3A_62 = tpu.memref_slice %arg5[%run_scoped3A_25, %dma_wait3A_61] : memref<16x512xf32, #tpu.memory_space<vmem>> -> memref<1x512xf32, #tpu.memory_space<vmem>>
      %dma_wait3A_63 = tpu.memref_squeeze %dma_wait3A_62 : memref<1x512xf32, #tpu.memory_space<vmem>> -> memref<512xf32, #tpu.memory_space<vmem>>
      %dma_wait3A_64 = tpu.memref_slice %arg2[%run_scoped3A_24, %mul3A_2] : memref<16x16384xf32, #tpu.memory_space<hbm>> -> memref<1x512xf32, #tpu.memory_space<hbm>>
      %dma_wait3A_65 = tpu.memref_squeeze %dma_wait3A_64 : memref<1x512xf32, #tpu.memory_space<hbm>> -> memref<512xf32, #tpu.memory_space<hbm>>
      tpu.wait_dma2 semaphore(%run_scoped3A_47 : memref<!tpu.dma_semaphore, #tpu.memory_space<semaphore_mem>>) src(%dma_wait3A_65 : memref<512xf32, #tpu.memory_space<hbm>>) dst(%dma_wait3A_63 : memref<512xf32, #tpu.memory_space<vmem>>)
      tpu.yield
    }) : () -> ()
    %run_scoped3A_26 = arith.constant 12 : i32
    %run_scoped3A_27 = arith.constant 12 : i32
    "tpu.region"() ({
      %run_scoped3A_47 = tpu.sem_alloc : memref<!tpu.dma_semaphore, #tpu.memory_space<semaphore_mem>>
      %dma_start3A = arith.constant 0 : i32
      %dma_start3A_48 = tpu.memref_slice %arg5[%run_scoped3A_27, %dma_start3A] : memref<16x512xf32, #tpu.memory_space<vmem>> -> memref<1x512xf32, #tpu.memory_space<vmem>>
      %dma_start3A_49 = tpu.memref_squeeze %dma_start3A_48 : memref<1x512xf32, #tpu.memory_space<vmem>> -> memref<512xf32, #tpu.memory_space<vmem>>
      %dma_start3A_50 = tpu.memref_slice %arg2[%run_scoped3A_26, %mul3A_2] : memref<16x16384xf32, #tpu.memory_space<hbm>> -> memref<1x512xf32, #tpu.memory_space<hbm>>
      %dma_start3A_51 = tpu.memref_squeeze %dma_start3A_50 : memref<1x512xf32, #tpu.memory_space<hbm>> -> memref<512xf32, #tpu.memory_space<hbm>>
      %dma_start3A_52 = arith.constant 0 : i32
      %dma_start3A_53 = tpu.memref_slice %arg5[%run_scoped3A_27, %dma_start3A_52] : memref<16x512xf32, #tpu.memory_space<vmem>> -> memref<1x512xf32, #tpu.memory_space<vmem>>
      %dma_start3A_54 = tpu.memref_squeeze %dma_start3A_53 : memref<1x512xf32, #tpu.memory_space<vmem>> -> memref<512xf32, #tpu.memory_space<vmem>>
      %dma_start3A_55 = tpu.memref_slice %arg2[%run_scoped3A_26, %mul3A_2] : memref<16x16384xf32, #tpu.memory_space<hbm>> -> memref<1x512xf32, #tpu.memory_space<hbm>>
      %dma_start3A_56 = tpu.memref_squeeze %dma_start3A_55 : memref<1x512xf32, #tpu.memory_space<hbm>> -> memref<512xf32, #tpu.memory_space<hbm>>
      tpu.enqueue_dma source(%dma_start3A_56 : memref<512xf32, #tpu.memory_space<hbm>>) target(%dma_start3A_54 : memref<512xf32, #tpu.memory_space<vmem>>) target_semaphore(%run_scoped3A_47 : memref<!tpu.dma_semaphore, #tpu.memory_space<semaphore_mem>>)
      %dma_wait3A = arith.constant 0 : i32
      %dma_wait3A_57 = tpu.memref_slice %arg5[%run_scoped3A_27, %dma_wait3A] : memref<16x512xf32, #tpu.memory_space<vmem>> -> memref<1x512xf32, #tpu.memory_space<vmem>>
      %dma_wait3A_58 = tpu.memref_squeeze %dma_wait3A_57 : memref<1x512xf32, #tpu.memory_space<vmem>> -> memref<512xf32, #tpu.memory_space<vmem>>
      %dma_wait3A_59 = tpu.memref_slice %arg2[%run_scoped3A_26, %mul3A_2] : memref<16x16384xf32, #tpu.memory_space<hbm>> -> memref<1x512xf32, #tpu.memory_space<hbm>>
      %dma_wait3A_60 = tpu.memref_squeeze %dma_wait3A_59 : memref<1x512xf32, #tpu.memory_space<hbm>> -> memref<512xf32, #tpu.memory_space<hbm>>
      %dma_wait3A_61 = arith.constant 0 : i32
      %dma_wait3A_62 = tpu.memref_slice %arg5[%run_scoped3A_27, %dma_wait3A_61] : memref<16x512xf32, #tpu.memory_space<vmem>> -> memref<1x512xf32, #tpu.memory_space<vmem>>
      %dma_wait3A_63 = tpu.memref_squeeze %dma_wait3A_62 : memref<1x512xf32, #tpu.memory_space<vmem>> -> memref<512xf32, #tpu.memory_space<vmem>>
      %dma_wait3A_64 = tpu.memref_slice %arg2[%run_scoped3A_26, %mul3A_2] : memref<16x16384xf32, #tpu.memory_space<hbm>> -> memref<1x512xf32, #tpu.memory_space<hbm>>
      %dma_wait3A_65 = tpu.memref_squeeze %dma_wait3A_64 : memref<1x512xf32, #tpu.memory_space<hbm>> -> memref<512xf32, #tpu.memory_space<hbm>>
      tpu.wait_dma2 semaphore(%run_scoped3A_47 : memref<!tpu.dma_semaphore, #tpu.memory_space<semaphore_mem>>) src(%dma_wait3A_65 : memref<512xf32, #tpu.memory_space<hbm>>) dst(%dma_wait3A_63 : memref<512xf32, #tpu.memory_space<vmem>>)
      tpu.yield
    }) : () -> ()
    %run_scoped3A_28 = arith.constant 13 : i32
    %run_scoped3A_29 = arith.constant 13 : i32
    "tpu.region"() ({
      %run_scoped3A_47 = tpu.sem_alloc : memref<!tpu.dma_semaphore, #tpu.memory_space<semaphore_mem>>
      %dma_start3A = arith.constant 0 : i32
      %dma_start3A_48 = tpu.memref_slice %arg5[%run_scoped3A_29, %dma_start3A] : memref<16x512xf32, #tpu.memory_space<vmem>> -> memref<1x512xf32, #tpu.memory_space<vmem>>
      %dma_start3A_49 = tpu.memref_squeeze %dma_start3A_48 : memref<1x512xf32, #tpu.memory_space<vmem>> -> memref<512xf32, #tpu.memory_space<vmem>>
      %dma_start3A_50 = tpu.memref_slice %arg2[%run_scoped3A_28, %mul3A_2] : memref<16x16384xf32, #tpu.memory_space<hbm>> -> memref<1x512xf32, #tpu.memory_space<hbm>>
      %dma_start3A_51 = tpu.memref_squeeze %dma_start3A_50 : memref<1x512xf32, #tpu.memory_space<hbm>> -> memref<512xf32, #tpu.memory_space<hbm>>
      %dma_start3A_52 = arith.constant 0 : i32
      %dma_start3A_53 = tpu.memref_slice %arg5[%run_scoped3A_29, %dma_start3A_52] : memref<16x512xf32, #tpu.memory_space<vmem>> -> memref<1x512xf32, #tpu.memory_space<vmem>>
      %dma_start3A_54 = tpu.memref_squeeze %dma_start3A_53 : memref<1x512xf32, #tpu.memory_space<vmem>> -> memref<512xf32, #tpu.memory_space<vmem>>
      %dma_start3A_55 = tpu.memref_slice %arg2[%run_scoped3A_28, %mul3A_2] : memref<16x16384xf32, #tpu.memory_space<hbm>> -> memref<1x512xf32, #tpu.memory_space<hbm>>
      %dma_start3A_56 = tpu.memref_squeeze %dma_start3A_55 : memref<1x512xf32, #tpu.memory_space<hbm>> -> memref<512xf32, #tpu.memory_space<hbm>>
      tpu.enqueue_dma source(%dma_start3A_56 : memref<512xf32, #tpu.memory_space<hbm>>) target(%dma_start3A_54 : memref<512xf32, #tpu.memory_space<vmem>>) target_semaphore(%run_scoped3A_47 : memref<!tpu.dma_semaphore, #tpu.memory_space<semaphore_mem>>)
      %dma_wait3A = arith.constant 0 : i32
      %dma_wait3A_57 = tpu.memref_slice %arg5[%run_scoped3A_29, %dma_wait3A] : memref<16x512xf32, #tpu.memory_space<vmem>> -> memref<1x512xf32, #tpu.memory_space<vmem>>
      %dma_wait3A_58 = tpu.memref_squeeze %dma_wait3A_57 : memref<1x512xf32, #tpu.memory_space<vmem>> -> memref<512xf32, #tpu.memory_space<vmem>>
      %dma_wait3A_59 = tpu.memref_slice %arg2[%run_scoped3A_28, %mul3A_2] : memref<16x16384xf32, #tpu.memory_space<hbm>> -> memref<1x512xf32, #tpu.memory_space<hbm>>
      %dma_wait3A_60 = tpu.memref_squeeze %dma_wait3A_59 : memref<1x512xf32, #tpu.memory_space<hbm>> -> memref<512xf32, #tpu.memory_space<hbm>>
      %dma_wait3A_61 = arith.constant 0 : i32
      %dma_wait3A_62 = tpu.memref_slice %arg5[%run_scoped3A_29, %dma_wait3A_61] : memref<16x512xf32, #tpu.memory_space<vmem>> -> memref<1x512xf32, #tpu.memory_space<vmem>>
      %dma_wait3A_63 = tpu.memref_squeeze %dma_wait3A_62 : memref<1x512xf32, #tpu.memory_space<vmem>> -> memref<512xf32, #tpu.memory_space<vmem>>
      %dma_wait3A_64 = tpu.memref_slice %arg2[%run_scoped3A_28, %mul3A_2] : memref<16x16384xf32, #tpu.memory_space<hbm>> -> memref<1x512xf32, #tpu.memory_space<hbm>>
      %dma_wait3A_65 = tpu.memref_squeeze %dma_wait3A_64 : memref<1x512xf32, #tpu.memory_space<hbm>> -> memref<512xf32, #tpu.memory_space<hbm>>
      tpu.wait_dma2 semaphore(%run_scoped3A_47 : memref<!tpu.dma_semaphore, #tpu.memory_space<semaphore_mem>>) src(%dma_wait3A_65 : memref<512xf32, #tpu.memory_space<hbm>>) dst(%dma_wait3A_63 : memref<512xf32, #tpu.memory_space<vmem>>)
      tpu.yield
    }) : () -> ()
    %run_scoped3A_30 = arith.constant 14 : i32
    %run_scoped3A_31 = arith.constant 14 : i32
    "tpu.region"() ({
      %run_scoped3A_47 = tpu.sem_alloc : memref<!tpu.dma_semaphore, #tpu.memory_space<semaphore_mem>>
      %dma_start3A = arith.constant 0 : i32
      %dma_start3A_48 = tpu.memref_slice %arg5[%run_scoped3A_31, %dma_start3A] : memref<16x512xf32, #tpu.memory_space<vmem>> -> memref<1x512xf32, #tpu.memory_space<vmem>>
      %dma_start3A_49 = tpu.memref_squeeze %dma_start3A_48 : memref<1x512xf32, #tpu.memory_space<vmem>> -> memref<512xf32, #tpu.memory_space<vmem>>
      %dma_start3A_50 = tpu.memref_slice %arg2[%run_scoped3A_30, %mul3A_2] : memref<16x16384xf32, #tpu.memory_space<hbm>> -> memref<1x512xf32, #tpu.memory_space<hbm>>
      %dma_start3A_51 = tpu.memref_squeeze %dma_start3A_50 : memref<1x512xf32, #tpu.memory_space<hbm>> -> memref<512xf32, #tpu.memory_space<hbm>>
      %dma_start3A_52 = arith.constant 0 : i32
      %dma_start3A_53 = tpu.memref_slice %arg5[%run_scoped3A_31, %dma_start3A_52] : memref<16x512xf32, #tpu.memory_space<vmem>> -> memref<1x512xf32, #tpu.memory_space<vmem>>
      %dma_start3A_54 = tpu.memref_squeeze %dma_start3A_53 : memref<1x512xf32, #tpu.memory_space<vmem>> -> memref<512xf32, #tpu.memory_space<vmem>>
      %dma_start3A_55 = tpu.memref_slice %arg2[%run_scoped3A_30, %mul3A_2] : memref<16x16384xf32, #tpu.memory_space<hbm>> -> memref<1x512xf32, #tpu.memory_space<hbm>>
      %dma_start3A_56 = tpu.memref_squeeze %dma_start3A_55 : memref<1x512xf32, #tpu.memory_space<hbm>> -> memref<512xf32, #tpu.memory_space<hbm>>
      tpu.enqueue_dma source(%dma_start3A_56 : memref<512xf32, #tpu.memory_space<hbm>>) target(%dma_start3A_54 : memref<512xf32, #tpu.memory_space<vmem>>) target_semaphore(%run_scoped3A_47 : memref<!tpu.dma_semaphore, #tpu.memory_space<semaphore_mem>>)
      %dma_wait3A = arith.constant 0 : i32
      %dma_wait3A_57 = tpu.memref_slice %arg5[%run_scoped3A_31, %dma_wait3A] : memref<16x512xf32, #tpu.memory_space<vmem>> -> memref<1x512xf32, #tpu.memory_space<vmem>>
      %dma_wait3A_58 = tpu.memref_squeeze %dma_wait3A_57 : memref<1x512xf32, #tpu.memory_space<vmem>> -> memref<512xf32, #tpu.memory_space<vmem>>
      %dma_wait3A_59 = tpu.memref_slice %arg2[%run_scoped3A_30, %mul3A_2] : memref<16x16384xf32, #tpu.memory_space<hbm>> -> memref<1x512xf32, #tpu.memory_space<hbm>>
      %dma_wait3A_60 = tpu.memref_squeeze %dma_wait3A_59 : memref<1x512xf32, #tpu.memory_space<hbm>> -> memref<512xf32, #tpu.memory_space<hbm>>
      %dma_wait3A_61 = arith.constant 0 : i32
      %dma_wait3A_62 = tpu.memref_slice %arg5[%run_scoped3A_31, %dma_wait3A_61] : memref<16x512xf32, #tpu.memory_space<vmem>> -> memref<1x512xf32, #tpu.memory_space<vmem>>
      %dma_wait3A_63 = tpu.memref_squeeze %dma_wait3A_62 : memref<1x512xf32, #tpu.memory_space<vmem>> -> memref<512xf32, #tpu.memory_space<vmem>>
      %dma_wait3A_64 = tpu.memref_slice %arg2[%run_scoped3A_30, %mul3A_2] : memref<16x16384xf32, #tpu.memory_space<hbm>> -> memref<1x512xf32, #tpu.memory_space<hbm>>
      %dma_wait3A_65 = tpu.memref_squeeze %dma_wait3A_64 : memref<1x512xf32, #tpu.memory_space<hbm>> -> memref<512xf32, #tpu.memory_space<hbm>>
      tpu.wait_dma2 semaphore(%run_scoped3A_47 : memref<!tpu.dma_semaphore, #tpu.memory_space<semaphore_mem>>) src(%dma_wait3A_65 : memref<512xf32, #tpu.memory_space<hbm>>) dst(%dma_wait3A_63 : memref<512xf32, #tpu.memory_space<vmem>>)
      tpu.yield
    }) : () -> ()
    %run_scoped3A_32 = arith.constant 15 : i32
    %run_scoped3A_33 = arith.constant 15 : i32
    "tpu.region"() ({
      %run_scoped3A_47 = tpu.sem_alloc : memref<!tpu.dma_semaphore, #tpu.memory_space<semaphore_mem>>
      %dma_start3A = arith.constant 0 : i32
      %dma_start3A_48 = tpu.memref_slice %arg5[%run_scoped3A_33, %dma_start3A] : memref<16x512xf32, #tpu.memory_space<vmem>> -> memref<1x512xf32, #tpu.memory_space<vmem>>
      %dma_start3A_49 = tpu.memref_squeeze %dma_start3A_48 : memref<1x512xf32, #tpu.memory_space<vmem>> -> memref<512xf32, #tpu.memory_space<vmem>>
      %dma_start3A_50 = tpu.memref_slice %arg2[%run_scoped3A_32, %mul3A_2] : memref<16x16384xf32, #tpu.memory_space<hbm>> -> memref<1x512xf32, #tpu.memory_space<hbm>>
      %dma_start3A_51 = tpu.memref_squeeze %dma_start3A_50 : memref<1x512xf32, #tpu.memory_space<hbm>> -> memref<512xf32, #tpu.memory_space<hbm>>
      %dma_start3A_52 = arith.constant 0 : i32
      %dma_start3A_53 = tpu.memref_slice %arg5[%run_scoped3A_33, %dma_start3A_52] : memref<16x512xf32, #tpu.memory_space<vmem>> -> memref<1x512xf32, #tpu.memory_space<vmem>>
      %dma_start3A_54 = tpu.memref_squeeze %dma_start3A_53 : memref<1x512xf32, #tpu.memory_space<vmem>> -> memref<512xf32, #tpu.memory_space<vmem>>
      %dma_start3A_55 = tpu.memref_slice %arg2[%run_scoped3A_32, %mul3A_2] : memref<16x16384xf32, #tpu.memory_space<hbm>> -> memref<1x512xf32, #tpu.memory_space<hbm>>
      %dma_start3A_56 = tpu.memref_squeeze %dma_start3A_55 : memref<1x512xf32, #tpu.memory_space<hbm>> -> memref<512xf32, #tpu.memory_space<hbm>>
      tpu.enqueue_dma source(%dma_start3A_56 : memref<512xf32, #tpu.memory_space<hbm>>) target(%dma_start3A_54 : memref<512xf32, #tpu.memory_space<vmem>>) target_semaphore(%run_scoped3A_47 : memref<!tpu.dma_semaphore, #tpu.memory_space<semaphore_mem>>)
      %dma_wait3A = arith.constant 0 : i32
      %dma_wait3A_57 = tpu.memref_slice %arg5[%run_scoped3A_33, %dma_wait3A] : memref<16x512xf32, #tpu.memory_space<vmem>> -> memref<1x512xf32, #tpu.memory_space<vmem>>
      %dma_wait3A_58 = tpu.memref_squeeze %dma_wait3A_57 : memref<1x512xf32, #tpu.memory_space<vmem>> -> memref<512xf32, #tpu.memory_space<vmem>>
      %dma_wait3A_59 = tpu.memref_slice %arg2[%run_scoped3A_32, %mul3A_2] : memref<16x16384xf32, #tpu.memory_space<hbm>> -> memref<1x512xf32, #tpu.memory_space<hbm>>
      %dma_wait3A_60 = tpu.memref_squeeze %dma_wait3A_59 : memref<1x512xf32, #tpu.memory_space<hbm>> -> memref<512xf32, #tpu.memory_space<hbm>>
      %dma_wait3A_61 = arith.constant 0 : i32
      %dma_wait3A_62 = tpu.memref_slice %arg5[%run_scoped3A_33, %dma_wait3A_61] : memref<16x512xf32, #tpu.memory_space<vmem>> -> memref<1x512xf32, #tpu.memory_space<vmem>>
      %dma_wait3A_63 = tpu.memref_squeeze %dma_wait3A_62 : memref<1x512xf32, #tpu.memory_space<vmem>> -> memref<512xf32, #tpu.memory_space<vmem>>
      %dma_wait3A_64 = tpu.memref_slice %arg2[%run_scoped3A_32, %mul3A_2] : memref<16x16384xf32, #tpu.memory_space<hbm>> -> memref<1x512xf32, #tpu.memory_space<hbm>>
      %dma_wait3A_65 = tpu.memref_squeeze %dma_wait3A_64 : memref<1x512xf32, #tpu.memory_space<hbm>> -> memref<512xf32, #tpu.memory_space<hbm>>
      tpu.wait_dma2 semaphore(%run_scoped3A_47 : memref<!tpu.dma_semaphore, #tpu.memory_space<semaphore_mem>>) src(%dma_wait3A_65 : memref<512xf32, #tpu.memory_space<hbm>>) dst(%dma_wait3A_63 : memref<512xf32, #tpu.memory_space<vmem>>)
      tpu.yield
    }) : () -> ()
    %scan3A = arith.constant 0 : i32
    %scan3A_34 = arith.constant 0 : i32
    %scan3A_35 = arith.constant 32 : i32
    %scan3A_36 = arith.addi %scan3A_34, %scan3A_35 : i32
    %scan3A_37 = arith.constant 1 : i32
    scf.for %scan3A_47 = %scan3A_34 to %scan3A_36 step %scan3A_37  : i32 {
      %mul3A_48 = arith.constant 16 : i32
      %mul3A_49 = arith.muli %scan3A_47, %mul3A_48 : i32
      %get3A = arith.constant 0 : i32
      %get3A_50 = arith.index_cast %get3A : i32 to index
      %get3A_51 = arith.index_cast %mul3A_49 : i32 to index
      %get3A_52 = tpu.vector_load %arg5[%get3A_50, %get3A_51] {strides = array<i32>} : memref<16x512xf32, #tpu.memory_space<vmem>>, vector<1x16xf32>,
      %get3A_53 = vector.shape_cast %get3A_52 : vector<1x16xf32> to vector<16xf32>
      %get3A_54 = arith.constant 1 : i32
      %get3A_55 = arith.index_cast %get3A_54 : i32 to index
      %get3A_56 = arith.index_cast %mul3A_49 : i32 to index
      %get3A_57 = tpu.vector_load %arg5[%get3A_55, %get3A_56] {strides = array<i32>} : memref<16x512xf32, #tpu.memory_space<vmem>>, vector<1x16xf32>,
      %get3A_58 = vector.shape_cast %get3A_57 : vector<1x16xf32> to vector<16xf32>
      %get3A_59 = arith.constant 2 : i32
      %get3A_60 = arith.index_cast %get3A_59 : i32 to index
      %get3A_61 = arith.index_cast %mul3A_49 : i32 to index
      %get3A_62 = tpu.vector_load %arg5[%get3A_60, %get3A_61] {strides = array<i32>} : memref<16x512xf32, #tpu.memory_space<vmem>>, vector<1x16xf32>,
      %get3A_63 = vector.shape_cast %get3A_62 : vector<1x16xf32> to vector<16xf32>
      %get3A_64 = arith.constant 3 : i32
      %get3A_65 = arith.index_cast %get3A_64 : i32 to index
      %get3A_66 = arith.index_cast %mul3A_49 : i32 to index
      %get3A_67 = tpu.vector_load %arg5[%get3A_65, %get3A_66] {strides = array<i32>} : memref<16x512xf32, #tpu.memory_space<vmem>>, vector<1x16xf32>,
      %get3A_68 = vector.shape_cast %get3A_67 : vector<1x16xf32> to vector<16xf32>
      %get3A_69 = arith.constant 4 : i32
      %get3A_70 = arith.index_cast %get3A_69 : i32 to index
      %get3A_71 = arith.index_cast %mul3A_49 : i32 to index
      %get3A_72 = tpu.vector_load %arg5[%get3A_70, %get3A_71] {strides = array<i32>} : memref<16x512xf32, #tpu.memory_space<vmem>>, vector<1x16xf32>,
      %get3A_73 = vector.shape_cast %get3A_72 : vector<1x16xf32> to vector<16xf32>
      %get3A_74 = arith.constant 5 : i32
      %get3A_75 = arith.index_cast %get3A_74 : i32 to index
      %get3A_76 = arith.index_cast %mul3A_49 : i32 to index
      %get3A_77 = tpu.vector_load %arg5[%get3A_75, %get3A_76] {strides = array<i32>} : memref<16x512xf32, #tpu.memory_space<vmem>>, vector<1x16xf32>,
      %get3A_78 = vector.shape_cast %get3A_77 : vector<1x16xf32> to vector<16xf32>
      %get3A_79 = arith.constant 6 : i32
      %get3A_80 = arith.index_cast %get3A_79 : i32 to index
      %get3A_81 = arith.index_cast %mul3A_49 : i32 to index
      %get3A_82 = tpu.vector_load %arg5[%get3A_80, %get3A_81] {strides = array<i32>} : memref<16x512xf32, #tpu.memory_space<vmem>>, vector<1x16xf32>,
      %get3A_83 = vector.shape_cast %get3A_82 : vector<1x16xf32> to vector<16xf32>
      %get3A_84 = arith.constant 7 : i32
      %get3A_85 = arith.index_cast %get3A_84 : i32 to index
      %get3A_86 = arith.index_cast %mul3A_49 : i32 to index
      %get3A_87 = tpu.vector_load %arg5[%get3A_85, %get3A_86] {strides = array<i32>} : memref<16x512xf32, #tpu.memory_space<vmem>>, vector<1x16xf32>,
      %get3A_88 = vector.shape_cast %get3A_87 : vector<1x16xf32> to vector<16xf32>
      %get3A_89 = arith.constant 8 : i32
      %get3A_90 = arith.index_cast %get3A_89 : i32 to index
      %get3A_91 = arith.index_cast %mul3A_49 : i32 to index
      %get3A_92 = tpu.vector_load %arg5[%get3A_90, %get3A_91] {strides = array<i32>} : memref<16x512xf32, #tpu.memory_space<vmem>>, vector<1x16xf32>,
      %get3A_93 = vector.shape_cast %get3A_92 : vector<1x16xf32> to vector<16xf32>
      %get3A_94 = arith.constant 9 : i32
      %get3A_95 = arith.index_cast %get3A_94 : i32 to index
      %get3A_96 = arith.index_cast %mul3A_49 : i32 to index
      %get3A_97 = tpu.vector_load %arg5[%get3A_95, %get3A_96] {strides = array<i32>} : memref<16x512xf32, #tpu.memory_space<vmem>>, vector<1x16xf32>,
      %get3A_98 = vector.shape_cast %get3A_97 : vector<1x16xf32> to vector<16xf32>
      %get3A_99 = arith.constant 10 : i32
      %get3A_100 = arith.index_cast %get3A_99 : i32 to index
      %get3A_101 = arith.index_cast %mul3A_49 : i32 to index
      %get3A_102 = tpu.vector_load %arg5[%get3A_100, %get3A_101] {strides = array<i32>} : memref<16x512xf32, #tpu.memory_space<vmem>>, vector<1x16xf32>,
      %get3A_103 = vector.shape_cast %get3A_102 : vector<1x16xf32> to vector<16xf32>
      %get3A_104 = arith.constant 11 : i32
      %get3A_105 = arith.index_cast %get3A_104 : i32 to index
      %get3A_106 = arith.index_cast %mul3A_49 : i32 to index
      %get3A_107 = tpu.vector_load %arg5[%get3A_105, %get3A_106] {strides = array<i32>} : memref<16x512xf32, #tpu.memory_space<vmem>>, vector<1x16xf32>,
      %get3A_108 = vector.shape_cast %get3A_107 : vector<1x16xf32> to vector<16xf32>
      %get3A_109 = arith.constant 12 : i32
      %get3A_110 = arith.index_cast %get3A_109 : i32 to index
      %get3A_111 = arith.index_cast %mul3A_49 : i32 to index
      %get3A_112 = tpu.vector_load %arg5[%get3A_110, %get3A_111] {strides = array<i32>} : memref<16x512xf32, #tpu.memory_space<vmem>>, vector<1x16xf32>,
      %get3A_113 = vector.shape_cast %get3A_112 : vector<1x16xf32> to vector<16xf32>
      %get3A_114 = arith.constant 13 : i32
      %get3A_115 = arith.index_cast %get3A_114 : i32 to index
      %get3A_116 = arith.index_cast %mul3A_49 : i32 to index
      %get3A_117 = tpu.vector_load %arg5[%get3A_115, %get3A_116] {strides = array<i32>} : memref<16x512xf32, #tpu.memory_space<vmem>>, vector<1x16xf32>,
      %get3A_118 = vector.shape_cast %get3A_117 : vector<1x16xf32> to vector<16xf32>
      %get3A_119 = arith.constant 14 : i32
      %get3A_120 = arith.index_cast %get3A_119 : i32 to index
      %get3A_121 = arith.index_cast %mul3A_49 : i32 to index
      %get3A_122 = tpu.vector_load %arg5[%get3A_120, %get3A_121] {strides = array<i32>} : memref<16x512xf32, #tpu.memory_space<vmem>>, vector<1x16xf32>,
      %get3A_123 = vector.shape_cast %get3A_122 : vector<1x16xf32> to vector<16xf32>
      %get3A_124 = arith.constant 15 : i32
      %get3A_125 = arith.index_cast %get3A_124 : i32 to index
      %get3A_126 = arith.index_cast %mul3A_49 : i32 to index
      %get3A_127 = tpu.vector_load %arg5[%get3A_125, %get3A_126] {strides = array<i32>} : memref<16x512xf32, #tpu.memory_space<vmem>>, vector<1x16xf32>,
      %get3A_128 = vector.shape_cast %get3A_127 : vector<1x16xf32> to vector<16xf32>
      %broadcast_in_dim3A = arith.constant 0 : i32
      %broadcast_in_dim3A_129 = vector.broadcast %broadcast_in_dim3A : i32 to vector<16xi32>
      %gt3A = arith.cmpf ogt, %get3A_58, %get3A_53 : vector<16xf32>
      %select_n3A = arith.select %gt3A, %get3A_58, %get3A_53 : vector<16xi1>, vector<16xf32>
      %jit3A = arith.constant 1 : i32
      %broadcast_in_dim3A_130 = vector.broadcast %jit3A : i32 to vector<16xi32>
      %select_n3A_131 = arith.select %gt3A, %broadcast_in_dim3A_130, %broadcast_in_dim3A_129 : vector<16xi1>, vector<16xi32>
      %gt3A_132 = arith.cmpf ogt, %get3A_63, %select_n3A : vector<16xf32>
      %select_n3A_133 = arith.select %gt3A_132, %get3A_63, %select_n3A : vector<16xi1>, vector<16xf32>
      %jit3A_134 = arith.constant 2 : i32
      %broadcast_in_dim3A_135 = vector.broadcast %jit3A_134 : i32 to vector<16xi32>
      %select_n3A_136 = arith.select %gt3A_132, %broadcast_in_dim3A_135, %select_n3A_131 : vector<16xi1>, vector<16xi32>
      %gt3A_137 = arith.cmpf ogt, %get3A_68, %select_n3A_133 : vector<16xf32>
      %select_n3A_138 = arith.select %gt3A_137, %get3A_68, %select_n3A_133 : vector<16xi1>, vector<16xf32>
      %jit3A_139 = arith.constant 3 : i32
      %broadcast_in_dim3A_140 = vector.broadcast %jit3A_139 : i32 to vector<16xi32>
      %select_n3A_141 = arith.select %gt3A_137, %broadcast_in_dim3A_140, %select_n3A_136 : vector<16xi1>, vector<16xi32>
      %gt3A_142 = arith.cmpf ogt, %get3A_73, %select_n3A_138 : vector<16xf32>
      %select_n3A_143 = arith.select %gt3A_142, %get3A_73, %select_n3A_138 : vector<16xi1>, vector<16xf32>
      %jit3A_144 = arith.constant 4 : i32
      %broadcast_in_dim3A_145 = vector.broadcast %jit3A_144 : i32 to vector<16xi32>
      %select_n3A_146 = arith.select %gt3A_142, %broadcast_in_dim3A_145, %select_n3A_141 : vector<16xi1>, vector<16xi32>
      %gt3A_147 = arith.cmpf ogt, %get3A_78, %select_n3A_143 : vector<16xf32>
      %select_n3A_148 = arith.select %gt3A_147, %get3A_78, %select_n3A_143 : vector<16xi1>, vector<16xf32>
      %jit3A_149 = arith.constant 5 : i32
      %broadcast_in_dim3A_150 = vector.broadcast %jit3A_149 : i32 to vector<16xi32>
      %select_n3A_151 = arith.select %gt3A_147, %broadcast_in_dim3A_150, %select_n3A_146 : vector<16xi1>, vector<16xi32>
      %gt3A_152 = arith.cmpf ogt, %get3A_83, %select_n3A_148 : vector<16xf32>
      %select_n3A_153 = arith.select %gt3A_152, %get3A_83, %select_n3A_148 : vector<16xi1>, vector<16xf32>
      %jit3A_154 = arith.constant 6 : i32
      %broadcast_in_dim3A_155 = vector.broadcast %jit3A_154 : i32 to vector<16xi32>
      %select_n3A_156 = arith.select %gt3A_152, %broadcast_in_dim3A_155, %select_n3A_151 : vector<16xi1>, vector<16xi32>
      %gt3A_157 = arith.cmpf ogt, %get3A_88, %select_n3A_153 : vector<16xf32>
      %select_n3A_158 = arith.select %gt3A_157, %get3A_88, %select_n3A_153 : vector<16xi1>, vector<16xf32>
      %jit3A_159 = arith.constant 7 : i32
      %broadcast_in_dim3A_160 = vector.broadcast %jit3A_159 : i32 to vector<16xi32>
      %select_n3A_161 = arith.select %gt3A_157, %broadcast_in_dim3A_160, %select_n3A_156 : vector<16xi1>, vector<16xi32>
      %gt3A_162 = arith.cmpf ogt, %get3A_93, %select_n3A_158 : vector<16xf32>
      %select_n3A_163 = arith.select %gt3A_162, %get3A_93, %select_n3A_158 : vector<16xi1>, vector<16xf32>
      %jit3A_164 = arith.constant 8 : i32
      %broadcast_in_dim3A_165 = vector.broadcast %jit3A_164 : i32 to vector<16xi32>
      %select_n3A_166 = arith.select %gt3A_162, %broadcast_in_dim3A_165, %select_n3A_161 : vector<16xi1>, vector<16xi32>
      %gt3A_167 = arith.cmpf ogt, %get3A_98, %select_n3A_163 : vector<16xf32>
      %select_n3A_168 = arith.select %gt3A_167, %get3A_98, %select_n3A_163 : vector<16xi1>, vector<16xf32>
      %jit3A_169 = arith.constant 9 : i32
      %broadcast_in_dim3A_170 = vector.broadcast %jit3A_169 : i32 to vector<16xi32>
      %select_n3A_171 = arith.select %gt3A_167, %broadcast_in_dim3A_170, %select_n3A_166 : vector<16xi1>, vector<16xi32>
      %gt3A_172 = arith.cmpf ogt, %get3A_103, %select_n3A_168 : vector<16xf32>
      %select_n3A_173 = arith.select %gt3A_172, %get3A_103, %select_n3A_168 : vector<16xi1>, vector<16xf32>
      %jit3A_174 = arith.constant 10 : i32
      %broadcast_in_dim3A_175 = vector.broadcast %jit3A_174 : i32 to vector<16xi32>
      %select_n3A_176 = arith.select %gt3A_172, %broadcast_in_dim3A_175, %select_n3A_171 : vector<16xi1>, vector<16xi32>
      %gt3A_177 = arith.cmpf ogt, %get3A_108, %select_n3A_173 : vector<16xf32>
      %select_n3A_178 = arith.select %gt3A_177, %get3A_108, %select_n3A_173 : vector<16xi1>, vector<16xf32>
      %jit3A_179 = arith.constant 11 : i32
      %broadcast_in_dim3A_180 = vector.broadcast %jit3A_179 : i32 to vector<16xi32>
      %select_n3A_181 = arith.select %gt3A_177, %broadcast_in_dim3A_180, %select_n3A_176 : vector<16xi1>, vector<16xi32>
      %gt3A_182 = arith.cmpf ogt, %get3A_113, %select_n3A_178 : vector<16xf32>
      %select_n3A_183 = arith.select %gt3A_182, %get3A_113, %select_n3A_178 : vector<16xi1>, vector<16xf32>
      %jit3A_184 = arith.constant 12 : i32
      %broadcast_in_dim3A_185 = vector.broadcast %jit3A_184 : i32 to vector<16xi32>
      %select_n3A_186 = arith.select %gt3A_182, %broadcast_in_dim3A_185, %select_n3A_181 : vector<16xi1>, vector<16xi32>
      %gt3A_187 = arith.cmpf ogt, %get3A_118, %select_n3A_183 : vector<16xf32>
      %select_n3A_188 = arith.select %gt3A_187, %get3A_118, %select_n3A_183 : vector<16xi1>, vector<16xf32>
      %jit3A_189 = arith.constant 13 : i32
      %broadcast_in_dim3A_190 = vector.broadcast %jit3A_189 : i32 to vector<16xi32>
      %select_n3A_191 = arith.select %gt3A_187, %broadcast_in_dim3A_190, %select_n3A_186 : vector<16xi1>, vector<16xi32>
      %gt3A_192 = arith.cmpf ogt, %get3A_123, %select_n3A_188 : vector<16xf32>
      %select_n3A_193 = arith.select %gt3A_192, %get3A_123, %select_n3A_188 : vector<16xi1>, vector<16xf32>
      %jit3A_194 = arith.constant 14 : i32
      %broadcast_in_dim3A_195 = vector.broadcast %jit3A_194 : i32 to vector<16xi32>
      %select_n3A_196 = arith.select %gt3A_192, %broadcast_in_dim3A_195, %select_n3A_191 : vector<16xi1>, vector<16xi32>
      %gt3A_197 = arith.cmpf ogt, %get3A_128, %select_n3A_193 : vector<16xf32>
      %select_n3A_198 = arith.select %gt3A_197, %get3A_128, %select_n3A_193 : vector<16xi1>, vector<16xf32>
      %jit3A_199 = arith.constant 15 : i32
      %broadcast_in_dim3A_200 = vector.broadcast %jit3A_199 : i32 to vector<16xi32>
      %select_n3A_201 = arith.select %gt3A_197, %broadcast_in_dim3A_200, %select_n3A_196 : vector<16xi1>, vector<16xi32>
      %broadcast_in_dim3A_202 = arith.constant 0xFF800000 : f32
      %broadcast_in_dim3A_203 = vector.broadcast %broadcast_in_dim3A_202 : f32 to vector<16xf32>
      %broadcast_in_dim3A_204 = arith.constant 0 : i32
      %broadcast_in_dim3A_205 = vector.broadcast %broadcast_in_dim3A_204 : i32 to vector<16xi32>
      %gt3A_206 = arith.cmpf ogt, %get3A_53, %broadcast_in_dim3A_203 : vector<16xf32>
      %ne3A = arith.constant 0 : i32
      %ne3A_207 = vector.broadcast %ne3A : i32 to vector<16xi32>
      %ne3A_208 = arith.cmpi ne, %select_n3A_201, %ne3A_207 : vector<16xi32>
      %and3A = arith.andi %gt3A_206, %ne3A_208 : vector<16xi1>
      %select_n3A_209 = arith.select %and3A, %get3A_53, %broadcast_in_dim3A_203 : vector<16xi1>, vector<16xf32>
      %jit3A_210 = arith.constant 0 : i32
      %broadcast_in_dim3A_211 = vector.broadcast %jit3A_210 : i32 to vector<16xi32>
      %select_n3A_212 = arith.select %and3A, %broadcast_in_dim3A_211, %broadcast_in_dim3A_205 : vector<16xi1>, vector<16xi32>
      %gt3A_213 = arith.cmpf ogt, %get3A_58, %select_n3A_209 : vector<16xf32>
      %ne3A_214 = arith.constant 1 : i32
      %ne3A_215 = vector.broadcast %ne3A_214 : i32 to vector<16xi32>
      %ne3A_216 = arith.cmpi ne, %select_n3A_201, %ne3A_215 : vector<16xi32>
      %and3A_217 = arith.andi %gt3A_213, %ne3A_216 : vector<16xi1>
      %select_n3A_218 = arith.select %and3A_217, %get3A_58, %select_n3A_209 : vector<16xi1>, vector<16xf32>
      %jit3A_219 = arith.constant 1 : i32
      %broadcast_in_dim3A_220 = vector.broadcast %jit3A_219 : i32 to vector<16xi32>
      %select_n3A_221 = arith.select %and3A_217, %broadcast_in_dim3A_220, %select_n3A_212 : vector<16xi1>, vector<16xi32>
      %gt3A_222 = arith.cmpf ogt, %get3A_63, %select_n3A_218 : vector<16xf32>
      %ne3A_223 = arith.constant 2 : i32
      %ne3A_224 = vector.broadcast %ne3A_223 : i32 to vector<16xi32>
      %ne3A_225 = arith.cmpi ne, %select_n3A_201, %ne3A_224 : vector<16xi32>
      %and3A_226 = arith.andi %gt3A_222, %ne3A_225 : vector<16xi1>
      %select_n3A_227 = arith.select %and3A_226, %get3A_63, %select_n3A_218 : vector<16xi1>, vector<16xf32>
      %jit3A_228 = arith.constant 2 : i32
      %broadcast_in_dim3A_229 = vector.broadcast %jit3A_228 : i32 to vector<16xi32>
      %select_n3A_230 = arith.select %and3A_226, %broadcast_in_dim3A_229, %select_n3A_221 : vector<16xi1>, vector<16xi32>
      %gt3A_231 = arith.cmpf ogt, %get3A_68, %select_n3A_227 : vector<16xf32>
      %ne3A_232 = arith.constant 3 : i32
      %ne3A_233 = vector.broadcast %ne3A_232 : i32 to vector<16xi32>
      %ne3A_234 = arith.cmpi ne, %select_n3A_201, %ne3A_233 : vector<16xi32>
      %and3A_235 = arith.andi %gt3A_231, %ne3A_234 : vector<16xi1>
      %select_n3A_236 = arith.select %and3A_235, %get3A_68, %select_n3A_227 : vector<16xi1>, vector<16xf32>
      %jit3A_237 = arith.constant 3 : i32
      %broadcast_in_dim3A_238 = vector.broadcast %jit3A_237 : i32 to vector<16xi32>
      %select_n3A_239 = arith.select %and3A_235, %broadcast_in_dim3A_238, %select_n3A_230 : vector<16xi1>, vector<16xi32>
      %gt3A_240 = arith.cmpf ogt, %get3A_73, %select_n3A_236 : vector<16xf32>
      %ne3A_241 = arith.constant 4 : i32
      %ne3A_242 = vector.broadcast %ne3A_241 : i32 to vector<16xi32>
      %ne3A_243 = arith.cmpi ne, %select_n3A_201, %ne3A_242 : vector<16xi32>
      %and3A_244 = arith.andi %gt3A_240, %ne3A_243 : vector<16xi1>
      %select_n3A_245 = arith.select %and3A_244, %get3A_73, %select_n3A_236 : vector<16xi1>, vector<16xf32>
      %jit3A_246 = arith.constant 4 : i32
      %broadcast_in_dim3A_247 = vector.broadcast %jit3A_246 : i32 to vector<16xi32>
      %select_n3A_248 = arith.select %and3A_244, %broadcast_in_dim3A_247, %select_n3A_239 : vector<16xi1>, vector<16xi32>
      %gt3A_249 = arith.cmpf ogt, %get3A_78, %select_n3A_245 : vector<16xf32>
      %ne3A_250 = arith.constant 5 : i32
      %ne3A_251 = vector.broadcast %ne3A_250 : i32 to vector<16xi32>
      %ne3A_252 = arith.cmpi ne, %select_n3A_201, %ne3A_251 : vector<16xi32>
      %and3A_253 = arith.andi %gt3A_249, %ne3A_252 : vector<16xi1>
      %select_n3A_254 = arith.select %and3A_253, %get3A_78, %select_n3A_245 : vector<16xi1>, vector<16xf32>
      %jit3A_255 = arith.constant 5 : i32
      %broadcast_in_dim3A_256 = vector.broadcast %jit3A_255 : i32 to vector<16xi32>
      %select_n3A_257 = arith.select %and3A_253, %broadcast_in_dim3A_256, %select_n3A_248 : vector<16xi1>, vector<16xi32>
      %gt3A_258 = arith.cmpf ogt, %get3A_83, %select_n3A_254 : vector<16xf32>
      %ne3A_259 = arith.constant 6 : i32
      %ne3A_260 = vector.broadcast %ne3A_259 : i32 to vector<16xi32>
      %ne3A_261 = arith.cmpi ne, %select_n3A_201, %ne3A_260 : vector<16xi32>
      %and3A_262 = arith.andi %gt3A_258, %ne3A_261 : vector<16xi1>
      %select_n3A_263 = arith.select %and3A_262, %get3A_83, %select_n3A_254 : vector<16xi1>, vector<16xf32>
      %jit3A_264 = arith.constant 6 : i32
      %broadcast_in_dim3A_265 = vector.broadcast %jit3A_264 : i32 to vector<16xi32>
      %select_n3A_266 = arith.select %and3A_262, %broadcast_in_dim3A_265, %select_n3A_257 : vector<16xi1>, vector<16xi32>
      %gt3A_267 = arith.cmpf ogt, %get3A_88, %select_n3A_263 : vector<16xf32>
      %ne3A_268 = arith.constant 7 : i32
      %ne3A_269 = vector.broadcast %ne3A_268 : i32 to vector<16xi32>
      %ne3A_270 = arith.cmpi ne, %select_n3A_201, %ne3A_269 : vector<16xi32>
      %and3A_271 = arith.andi %gt3A_267, %ne3A_270 : vector<16xi1>
      %select_n3A_272 = arith.select %and3A_271, %get3A_88, %select_n3A_263 : vector<16xi1>, vector<16xf32>
      %jit3A_273 = arith.constant 7 : i32
      %broadcast_in_dim3A_274 = vector.broadcast %jit3A_273 : i32 to vector<16xi32>
      %select_n3A_275 = arith.select %and3A_271, %broadcast_in_dim3A_274, %select_n3A_266 : vector<16xi1>, vector<16xi32>
      %gt3A_276 = arith.cmpf ogt, %get3A_93, %select_n3A_272 : vector<16xf32>
      %ne3A_277 = arith.constant 8 : i32
      %ne3A_278 = vector.broadcast %ne3A_277 : i32 to vector<16xi32>
      %ne3A_279 = arith.cmpi ne, %select_n3A_201, %ne3A_278 : vector<16xi32>
      %and3A_280 = arith.andi %gt3A_276, %ne3A_279 : vector<16xi1>
      %select_n3A_281 = arith.select %and3A_280, %get3A_93, %select_n3A_272 : vector<16xi1>, vector<16xf32>
      %jit3A_282 = arith.constant 8 : i32
      %broadcast_in_dim3A_283 = vector.broadcast %jit3A_282 : i32 to vector<16xi32>
      %select_n3A_284 = arith.select %and3A_280, %broadcast_in_dim3A_283, %select_n3A_275 : vector<16xi1>, vector<16xi32>
      %gt3A_285 = arith.cmpf ogt, %get3A_98, %select_n3A_281 : vector<16xf32>
      %ne3A_286 = arith.constant 9 : i32
      %ne3A_287 = vector.broadcast %ne3A_286 : i32 to vector<16xi32>
      %ne3A_288 = arith.cmpi ne, %select_n3A_201, %ne3A_287 : vector<16xi32>
      %and3A_289 = arith.andi %gt3A_285, %ne3A_288 : vector<16xi1>
      %select_n3A_290 = arith.select %and3A_289, %get3A_98, %select_n3A_281 : vector<16xi1>, vector<16xf32>
      %jit3A_291 = arith.constant 9 : i32
      %broadcast_in_dim3A_292 = vector.broadcast %jit3A_291 : i32 to vector<16xi32>
      %select_n3A_293 = arith.select %and3A_289, %broadcast_in_dim3A_292, %select_n3A_284 : vector<16xi1>, vector<16xi32>
      %gt3A_294 = arith.cmpf ogt, %get3A_103, %select_n3A_290 : vector<16xf32>
      %ne3A_295 = arith.constant 10 : i32
      %ne3A_296 = vector.broadcast %ne3A_295 : i32 to vector<16xi32>
      %ne3A_297 = arith.cmpi ne, %select_n3A_201, %ne3A_296 : vector<16xi32>
      %and3A_298 = arith.andi %gt3A_294, %ne3A_297 : vector<16xi1>
      %select_n3A_299 = arith.select %and3A_298, %get3A_103, %select_n3A_290 : vector<16xi1>, vector<16xf32>
      %jit3A_300 = arith.constant 10 : i32
      %broadcast_in_dim3A_301 = vector.broadcast %jit3A_300 : i32 to vector<16xi32>
      %select_n3A_302 = arith.select %and3A_298, %broadcast_in_dim3A_301, %select_n3A_293 : vector<16xi1>, vector<16xi32>
      %gt3A_303 = arith.cmpf ogt, %get3A_108, %select_n3A_299 : vector<16xf32>
      %ne3A_304 = arith.constant 11 : i32
      %ne3A_305 = vector.broadcast %ne3A_304 : i32 to vector<16xi32>
      %ne3A_306 = arith.cmpi ne, %select_n3A_201, %ne3A_305 : vector<16xi32>
      %and3A_307 = arith.andi %gt3A_303, %ne3A_306 : vector<16xi1>
      %select_n3A_308 = arith.select %and3A_307, %get3A_108, %select_n3A_299 : vector<16xi1>, vector<16xf32>
      %jit3A_309 = arith.constant 11 : i32
      %broadcast_in_dim3A_310 = vector.broadcast %jit3A_309 : i32 to vector<16xi32>
      %select_n3A_311 = arith.select %and3A_307, %broadcast_in_dim3A_310, %select_n3A_302 : vector<16xi1>, vector<16xi32>
      %gt3A_312 = arith.cmpf ogt, %get3A_113, %select_n3A_308 : vector<16xf32>
      %ne3A_313 = arith.constant 12 : i32
      %ne3A_314 = vector.broadcast %ne3A_313 : i32 to vector<16xi32>
      %ne3A_315 = arith.cmpi ne, %select_n3A_201, %ne3A_314 : vector<16xi32>
      %and3A_316 = arith.andi %gt3A_312, %ne3A_315 : vector<16xi1>
      %select_n3A_317 = arith.select %and3A_316, %get3A_113, %select_n3A_308 : vector<16xi1>, vector<16xf32>
      %jit3A_318 = arith.constant 12 : i32
      %broadcast_in_dim3A_319 = vector.broadcast %jit3A_318 : i32 to vector<16xi32>
      %select_n3A_320 = arith.select %and3A_316, %broadcast_in_dim3A_319, %select_n3A_311 : vector<16xi1>, vector<16xi32>
      %gt3A_321 = arith.cmpf ogt, %get3A_118, %select_n3A_317 : vector<16xf32>
      %ne3A_322 = arith.constant 13 : i32
      %ne3A_323 = vector.broadcast %ne3A_322 : i32 to vector<16xi32>
      %ne3A_324 = arith.cmpi ne, %select_n3A_201, %ne3A_323 : vector<16xi32>
      %and3A_325 = arith.andi %gt3A_321, %ne3A_324 : vector<16xi1>
      %select_n3A_326 = arith.select %and3A_325, %get3A_118, %select_n3A_317 : vector<16xi1>, vector<16xf32>
      %jit3A_327 = arith.constant 13 : i32
      %broadcast_in_dim3A_328 = vector.broadcast %jit3A_327 : i32 to vector<16xi32>
      %select_n3A_329 = arith.select %and3A_325, %broadcast_in_dim3A_328, %select_n3A_320 : vector<16xi1>, vector<16xi32>
      %gt3A_330 = arith.cmpf ogt, %get3A_123, %select_n3A_326 : vector<16xf32>
      %ne3A_331 = arith.constant 14 : i32
      %ne3A_332 = vector.broadcast %ne3A_331 : i32 to vector<16xi32>
      %ne3A_333 = arith.cmpi ne, %select_n3A_201, %ne3A_332 : vector<16xi32>
      %and3A_334 = arith.andi %gt3A_330, %ne3A_333 : vector<16xi1>
      %select_n3A_335 = arith.select %and3A_334, %get3A_123, %select_n3A_326 : vector<16xi1>, vector<16xf32>
      %jit3A_336 = arith.constant 14 : i32
      %broadcast_in_dim3A_337 = vector.broadcast %jit3A_336 : i32 to vector<16xi32>
      %select_n3A_338 = arith.select %and3A_334, %broadcast_in_dim3A_337, %select_n3A_329 : vector<16xi1>, vector<16xi32>
      %gt3A_339 = arith.cmpf ogt, %get3A_128, %select_n3A_335 : vector<16xf32>
      %ne3A_340 = arith.constant 15 : i32
      %ne3A_341 = vector.broadcast %ne3A_340 : i32 to vector<16xi32>
      %ne3A_342 = arith.cmpi ne, %select_n3A_201, %ne3A_341 : vector<16xi32>
      %and3A_343 = arith.andi %gt3A_339, %ne3A_342 : vector<16xi1>
      %select_n3A_344 = arith.select %and3A_343, %get3A_128, %select_n3A_335 : vector<16xi1>, vector<16xf32>
      %jit3A_345 = arith.constant 15 : i32
      %broadcast_in_dim3A_346 = vector.broadcast %jit3A_345 : i32 to vector<16xi32>
      %select_n3A_347 = arith.select %and3A_343, %broadcast_in_dim3A_346, %select_n3A_338 : vector<16xi1>, vector<16xi32>
      %sub3A = arith.subf %select_n3A_344, %select_n3A_198 : vector<16xf32>
      %exp3A = math.exp %sub3A : vector<16xf32>
      %add3A_348 = arith.constant 1.000000e+00 : f32
      %add3A_349 = vector.broadcast %add3A_348 : f32 to vector<16xf32>
      %add3A_350 = arith.addf %add3A_349, %exp3A : vector<16xf32>
      %div3A = arith.constant 1.000000e+00 : f32
      %div3A_351 = vector.broadcast %div3A : f32 to vector<16xf32>
      %div3A_352 = arith.divf %div3A_351, %add3A_350 : vector<16xf32>
      %mul3A_353 = arith.mulf %exp3A, %div3A_352 : vector<16xf32>
      %swap3A = arith.constant 0 : i32
      %swap3A_354 = arith.index_cast %swap3A : i32 to index
      %swap3A_355 = arith.index_cast %mul3A_49 : i32 to index
      %swap3A_356 = tpu.vector_load %arg6[%swap3A_354, %swap3A_355] {strides = array<i32>} : memref<2x512xf32, #tpu.memory_space<vmem>>, vector<1x16xf32>,
      %swap3A_357 = vector.shape_cast %swap3A_356 : vector<1x16xf32> to vector<16xf32>
      %swap3A_358 = vector.shape_cast %div3A_352 : vector<16xf32> to vector<1x16xf32>
      tpu.vector_store %arg6[%swap3A_354, %swap3A_355], %swap3A_358 {strides = array<i32>} : memref<2x512xf32, #tpu.memory_space<vmem>>, vector<1x16xf32>,
      %swap3A_359 = arith.constant 1 : i32
      %swap3A_360 = arith.index_cast %swap3A_359 : i32 to index
      %swap3A_361 = arith.index_cast %mul3A_49 : i32 to index
      %swap3A_362 = tpu.vector_load %arg6[%swap3A_360, %swap3A_361] {strides = array<i32>} : memref<2x512xf32, #tpu.memory_space<vmem>>, vector<1x16xf32>,
      %swap3A_363 = vector.shape_cast %swap3A_362 : vector<1x16xf32> to vector<16xf32>
      %swap3A_364 = vector.shape_cast %mul3A_353 : vector<16xf32> to vector<1x16xf32>
      tpu.vector_store %arg6[%swap3A_360, %swap3A_361], %swap3A_364 {strides = array<i32>} : memref<2x512xf32, #tpu.memory_space<vmem>>, vector<1x16xf32>,
      %swap3A_365 = arith.constant 0 : i32
      %swap3A_366 = arith.index_cast %swap3A_365 : i32 to index
      %swap3A_367 = arith.index_cast %mul3A_49 : i32 to index
      %swap3A_368 = tpu.vector_load %arg7[%swap3A_366, %swap3A_367] {strides = array<i32>} : memref<2x512xi32, #tpu.memory_space<vmem>>, vector<1x16xi32>,
      %swap3A_369 = vector.shape_cast %swap3A_368 : vector<1x16xi32> to vector<16xi32>
      %swap3A_370 = vector.shape_cast %select_n3A_201 : vector<16xi32> to vector<1x16xi32>
      tpu.vector_store %arg7[%swap3A_366, %swap3A_367], %swap3A_370 {strides = array<i32>} : memref<2x512xi32, #tpu.memory_space<vmem>>, vector<1x16xi32>,
      %swap3A_371 = arith.constant 1 : i32
      %swap3A_372 = arith.index_cast %swap3A_371 : i32 to index
      %swap3A_373 = arith.index_cast %mul3A_49 : i32 to index
      %swap3A_374 = tpu.vector_load %arg7[%swap3A_372, %swap3A_373] {strides = array<i32>} : memref<2x512xi32, #tpu.memory_space<vmem>>, vector<1x16xi32>,
      %swap3A_375 = vector.shape_cast %swap3A_374 : vector<1x16xi32> to vector<16xi32>
      %swap3A_376 = vector.shape_cast %select_n3A_347 : vector<16xi32> to vector<1x16xi32>
      tpu.vector_store %arg7[%swap3A_372, %swap3A_373], %swap3A_376 {strides = array<i32>} : memref<2x512xi32, #tpu.memory_space<vmem>>, vector<1x16xi32>,
    }
    %scan3A_38 = arith.constant 32 : i32
    %run_scoped3A_39 = arith.constant 0 : i32
    %run_scoped3A_40 = arith.constant 0 : i32
    "tpu.region"() ({
      %run_scoped3A_47 = tpu.sem_alloc : memref<!tpu.dma_semaphore, #tpu.memory_space<semaphore_mem>>
      %dma_start3A = arith.constant 0 : i32
      %dma_start3A_48 = tpu.memref_slice %arg6[%run_scoped3A_39, %dma_start3A] : memref<2x512xf32, #tpu.memory_space<vmem>> -> memref<1x512xf32, #tpu.memory_space<vmem>>
      %dma_start3A_49 = tpu.memref_squeeze %dma_start3A_48 : memref<1x512xf32, #tpu.memory_space<vmem>> -> memref<512xf32, #tpu.memory_space<vmem>>
      %dma_start3A_50 = tpu.memref_slice %arg3[%run_scoped3A_40, %mul3A_2] : memref<2x16384xf32, #tpu.memory_space<hbm>> -> memref<1x512xf32, #tpu.memory_space<hbm>>
      %dma_start3A_51 = tpu.memref_squeeze %dma_start3A_50 : memref<1x512xf32, #tpu.memory_space<hbm>> -> memref<512xf32, #tpu.memory_space<hbm>>
      %dma_start3A_52 = tpu.memref_slice %arg3[%run_scoped3A_40, %mul3A_2] : memref<2x16384xf32, #tpu.memory_space<hbm>> -> memref<1x512xf32, #tpu.memory_space<hbm>>
      %dma_start3A_53 = tpu.memref_squeeze %dma_start3A_52 : memref<1x512xf32, #tpu.memory_space<hbm>> -> memref<512xf32, #tpu.memory_space<hbm>>
      %dma_start3A_54 = arith.constant 0 : i32
      %dma_start3A_55 = tpu.memref_slice %arg6[%run_scoped3A_39, %dma_start3A_54] : memref<2x512xf32, #tpu.memory_space<vmem>> -> memref<1x512xf32, #tpu.memory_space<vmem>>
      %dma_start3A_56 = tpu.memref_squeeze %dma_start3A_55 : memref<1x512xf32, #tpu.memory_space<vmem>> -> memref<512xf32, #tpu.memory_space<vmem>>
      tpu.enqueue_dma source(%dma_start3A_56 : memref<512xf32, #tpu.memory_space<vmem>>) target(%dma_start3A_53 : memref<512xf32, #tpu.memory_space<hbm>>) target_semaphore(%run_scoped3A_47 : memref<!tpu.dma_semaphore, #tpu.memory_space<semaphore_mem>>)
      %dma_wait3A = arith.constant 0 : i32
      %dma_wait3A_57 = tpu.memref_slice %arg6[%run_scoped3A_39, %dma_wait3A] : memref<2x512xf32, #tpu.memory_space<vmem>> -> memref<1x512xf32, #tpu.memory_space<vmem>>
      %dma_wait3A_58 = tpu.memref_squeeze %dma_wait3A_57 : memref<1x512xf32, #tpu.memory_space<vmem>> -> memref<512xf32, #tpu.memory_space<vmem>>
      %dma_wait3A_59 = tpu.memref_slice %arg3[%run_scoped3A_40, %mul3A_2] : memref<2x16384xf32, #tpu.memory_space<hbm>> -> memref<1x512xf32, #tpu.memory_space<hbm>>
      %dma_wait3A_60 = tpu.memref_squeeze %dma_wait3A_59 : memref<1x512xf32, #tpu.memory_space<hbm>> -> memref<512xf32, #tpu.memory_space<hbm>>
      %dma_wait3A_61 = tpu.memref_slice %arg3[%run_scoped3A_40, %mul3A_2] : memref<2x16384xf32, #tpu.memory_space<hbm>> -> memref<1x512xf32, #tpu.memory_space<hbm>>
      %dma_wait3A_62 = tpu.memref_squeeze %dma_wait3A_61 : memref<1x512xf32, #tpu.memory_space<hbm>> -> memref<512xf32, #tpu.memory_space<hbm>>
      %dma_wait3A_63 = arith.constant 0 : i32
      %dma_wait3A_64 = tpu.memref_slice %arg6[%run_scoped3A_39, %dma_wait3A_63] : memref<2x512xf32, #tpu.memory_space<vmem>> -> memref<1x512xf32, #tpu.memory_space<vmem>>
      %dma_wait3A_65 = tpu.memref_squeeze %dma_wait3A_64 : memref<1x512xf32, #tpu.memory_space<vmem>> -> memref<512xf32, #tpu.memory_space<vmem>>
      tpu.wait_dma2 semaphore(%run_scoped3A_47 : memref<!tpu.dma_semaphore, #tpu.memory_space<semaphore_mem>>) src(%dma_wait3A_65 : memref<512xf32, #tpu.memory_space<vmem>>) dst(%dma_wait3A_62 : memref<512xf32, #tpu.memory_space<hbm>>)
      tpu.yield
    }) : () -> ()
    %run_scoped3A_41 = arith.constant 0 : i32
    %run_scoped3A_42 = arith.constant 0 : i32
    "tpu.region"() ({
      %run_scoped3A_47 = tpu.sem_alloc : memref<!tpu.dma_semaphore, #tpu.memory_space<semaphore_mem>>
      %dma_start3A = arith.constant 0 : i32
      %dma_start3A_48 = tpu.memref_slice %arg7[%run_scoped3A_41, %dma_start3A] : memref<2x512xi32, #tpu.memory_space<vmem>> -> memref<1x512xi32, #tpu.memory_space<vmem>>
      %dma_start3A_49 = tpu.memref_squeeze %dma_start3A_48 : memref<1x512xi32, #tpu.memory_space<vmem>> -> memref<512xi32, #tpu.memory_space<vmem>>
      %dma_start3A_50 = tpu.memref_slice %arg4[%run_scoped3A_42, %mul3A_2] : memref<2x16384xi32, #tpu.memory_space<hbm>> -> memref<1x512xi32, #tpu.memory_space<hbm>>
      %dma_start3A_51 = tpu.memref_squeeze %dma_start3A_50 : memref<1x512xi32, #tpu.memory_space<hbm>> -> memref<512xi32, #tpu.memory_space<hbm>>
      %dma_start3A_52 = tpu.memref_slice %arg4[%run_scoped3A_42, %mul3A_2] : memref<2x16384xi32, #tpu.memory_space<hbm>> -> memref<1x512xi32, #tpu.memory_space<hbm>>
      %dma_start3A_53 = tpu.memref_squeeze %dma_start3A_52 : memref<1x512xi32, #tpu.memory_space<hbm>> -> memref<512xi32, #tpu.memory_space<hbm>>
      %dma_start3A_54 = arith.constant 0 : i32
      %dma_start3A_55 = tpu.memref_slice %arg7[%run_scoped3A_41, %dma_start3A_54] : memref<2x512xi32, #tpu.memory_space<vmem>> -> memref<1x512xi32, #tpu.memory_space<vmem>>
      %dma_start3A_56 = tpu.memref_squeeze %dma_start3A_55 : memref<1x512xi32, #tpu.memory_space<vmem>> -> memref<512xi32, #tpu.memory_space<vmem>>
      tpu.enqueue_dma source(%dma_start3A_56 : memref<512xi32, #tpu.memory_space<vmem>>) target(%dma_start3A_53 : memref<512xi32, #tpu.memory_space<hbm>>) target_semaphore(%run_scoped3A_47 : memref<!tpu.dma_semaphore, #tpu.memory_space<semaphore_mem>>)
      %dma_wait3A = arith.constant 0 : i32
      %dma_wait3A_57 = tpu.memref_slice %arg7[%run_scoped3A_41, %dma_wait3A] : memref<2x512xi32, #tpu.memory_space<vmem>> -> memref<1x512xi32, #tpu.memory_space<vmem>>
      %dma_wait3A_58 = tpu.memref_squeeze %dma_wait3A_57 : memref<1x512xi32, #tpu.memory_space<vmem>> -> memref<512xi32, #tpu.memory_space<vmem>>
      %dma_wait3A_59 = tpu.memref_slice %arg4[%run_scoped3A_42, %mul3A_2] : memref<2x16384xi32, #tpu.memory_space<hbm>> -> memref<1x512xi32, #tpu.memory_space<hbm>>
      %dma_wait3A_60 = tpu.memref_squeeze %dma_wait3A_59 : memref<1x512xi32, #tpu.memory_space<hbm>> -> memref<512xi32, #tpu.memory_space<hbm>>
      %dma_wait3A_61 = tpu.memref_slice %arg4[%run_scoped3A_42, %mul3A_2] : memref<2x16384xi32, #tpu.memory_space<hbm>> -> memref<1x512xi32, #tpu.memory_space<hbm>>
      %dma_wait3A_62 = tpu.memref_squeeze %dma_wait3A_61 : memref<1x512xi32, #tpu.memory_space<hbm>> -> memref<512xi32, #tpu.memory_space<hbm>>
      %dma_wait3A_63 = arith.constant 0 : i32
      %dma_wait3A_64 = tpu.memref_slice %arg7[%run_scoped3A_41, %dma_wait3A_63] : memref<2x512xi32, #tpu.memory_space<vmem>> -> memref<1x512xi32, #tpu.memory_space<vmem>>
      %dma_wait3A_65 = tpu.memref_squeeze %dma_wait3A_64 : memref<1x512xi32, #tpu.memory_space<vmem>> -> memref<512xi32, #tpu.memory_space<vmem>>
      tpu.wait_dma2 semaphore(%run_scoped3A_47 : memref<!tpu.dma_semaphore, #tpu.memory_space<semaphore_mem>>) src(%dma_wait3A_65 : memref<512xi32, #tpu.memory_space<vmem>>) dst(%dma_wait3A_62 : memref<512xi32, #tpu.memory_space<hbm>>)
      tpu.yield
    }) : () -> ()
    %run_scoped3A_43 = arith.constant 1 : i32
    %run_scoped3A_44 = arith.constant 1 : i32
    "tpu.region"() ({
      %run_scoped3A_47 = tpu.sem_alloc : memref<!tpu.dma_semaphore, #tpu.memory_space<semaphore_mem>>
      %dma_start3A = arith.constant 0 : i32
      %dma_start3A_48 = tpu.memref_slice %arg6[%run_scoped3A_43, %dma_start3A] : memref<2x512xf32, #tpu.memory_space<vmem>> -> memref<1x512xf32, #tpu.memory_space<vmem>>
      %dma_start3A_49 = tpu.memref_squeeze %dma_start3A_48 : memref<1x512xf32, #tpu.memory_space<vmem>> -> memref<512xf32, #tpu.memory_space<vmem>>
      %dma_start3A_50 = tpu.memref_slice %arg3[%run_scoped3A_44, %mul3A_2] : memref<2x16384xf32, #tpu.memory_space<hbm>> -> memref<1x512xf32, #tpu.memory_space<hbm>>
      %dma_start3A_51 = tpu.memref_squeeze %dma_start3A_50 : memref<1x512xf32, #tpu.memory_space<hbm>> -> memref<512xf32, #tpu.memory_space<hbm>>
      %dma_start3A_52 = tpu.memref_slice %arg3[%run_scoped3A_44, %mul3A_2] : memref<2x16384xf32, #tpu.memory_space<hbm>> -> memref<1x512xf32, #tpu.memory_space<hbm>>
      %dma_start3A_53 = tpu.memref_squeeze %dma_start3A_52 : memref<1x512xf32, #tpu.memory_space<hbm>> -> memref<512xf32, #tpu.memory_space<hbm>>
      %dma_start3A_54 = arith.constant 0 : i32
      %dma_start3A_55 = tpu.memref_slice %arg6[%run_scoped3A_43, %dma_start3A_54] : memref<2x512xf32, #tpu.memory_space<vmem>> -> memref<1x512xf32, #tpu.memory_space<vmem>>
      %dma_start3A_56 = tpu.memref_squeeze %dma_start3A_55 : memref<1x512xf32, #tpu.memory_space<vmem>> -> memref<512xf32, #tpu.memory_space<vmem>>
      tpu.enqueue_dma source(%dma_start3A_56 : memref<512xf32, #tpu.memory_space<vmem>>) target(%dma_start3A_53 : memref<512xf32, #tpu.memory_space<hbm>>) target_semaphore(%run_scoped3A_47 : memref<!tpu.dma_semaphore, #tpu.memory_space<semaphore_mem>>)
      %dma_wait3A = arith.constant 0 : i32
      %dma_wait3A_57 = tpu.memref_slice %arg6[%run_scoped3A_43, %dma_wait3A] : memref<2x512xf32, #tpu.memory_space<vmem>> -> memref<1x512xf32, #tpu.memory_space<vmem>>
      %dma_wait3A_58 = tpu.memref_squeeze %dma_wait3A_57 : memref<1x512xf32, #tpu.memory_space<vmem>> -> memref<512xf32, #tpu.memory_space<vmem>>
      %dma_wait3A_59 = tpu.memref_slice %arg3[%run_scoped3A_44, %mul3A_2] : memref<2x16384xf32, #tpu.memory_space<hbm>> -> memref<1x512xf32, #tpu.memory_space<hbm>>
      %dma_wait3A_60 = tpu.memref_squeeze %dma_wait3A_59 : memref<1x512xf32, #tpu.memory_space<hbm>> -> memref<512xf32, #tpu.memory_space<hbm>>
      %dma_wait3A_61 = tpu.memref_slice %arg3[%run_scoped3A_44, %mul3A_2] : memref<2x16384xf32, #tpu.memory_space<hbm>> -> memref<1x512xf32, #tpu.memory_space<hbm>>
      %dma_wait3A_62 = tpu.memref_squeeze %dma_wait3A_61 : memref<1x512xf32, #tpu.memory_space<hbm>> -> memref<512xf32, #tpu.memory_space<hbm>>
      %dma_wait3A_63 = arith.constant 0 : i32
      %dma_wait3A_64 = tpu.memref_slice %arg6[%run_scoped3A_43, %dma_wait3A_63] : memref<2x512xf32, #tpu.memory_space<vmem>> -> memref<1x512xf32, #tpu.memory_space<vmem>>
      %dma_wait3A_65 = tpu.memref_squeeze %dma_wait3A_64 : memref<1x512xf32, #tpu.memory_space<vmem>> -> memref<512xf32, #tpu.memory_space<vmem>>
      tpu.wait_dma2 semaphore(%run_scoped3A_47 : memref<!tpu.dma_semaphore, #tpu.memory_space<semaphore_mem>>) src(%dma_wait3A_65 : memref<512xf32, #tpu.memory_space<vmem>>) dst(%dma_wait3A_62 : memref<512xf32, #tpu.memory_space<hbm>>)
      tpu.yield
    }) : () -> ()
    %run_scoped3A_45 = arith.constant 1 : i32
    %run_scoped3A_46 = arith.constant 1 : i32
    "tpu.region"() ({
      %run_scoped3A_47 = tpu.sem_alloc : memref<!tpu.dma_semaphore, #tpu.memory_space<semaphore_mem>>
      %dma_start3A = arith.constant 0 : i32
      %dma_start3A_48 = tpu.memref_slice %arg7[%run_scoped3A_45, %dma_start3A] : memref<2x512xi32, #tpu.memory_space<vmem>> -> memref<1x512xi32, #tpu.memory_space<vmem>>
      %dma_start3A_49 = tpu.memref_squeeze %dma_start3A_48 : memref<1x512xi32, #tpu.memory_space<vmem>> -> memref<512xi32, #tpu.memory_space<vmem>>
      %dma_start3A_50 = tpu.memref_slice %arg4[%run_scoped3A_46, %mul3A_2] : memref<2x16384xi32, #tpu.memory_space<hbm>> -> memref<1x512xi32, #tpu.memory_space<hbm>>
      %dma_start3A_51 = tpu.memref_squeeze %dma_start3A_50 : memref<1x512xi32, #tpu.memory_space<hbm>> -> memref<512xi32, #tpu.memory_space<hbm>>
      %dma_start3A_52 = tpu.memref_slice %arg4[%run_scoped3A_46, %mul3A_2] : memref<2x16384xi32, #tpu.memory_space<hbm>> -> memref<1x512xi32, #tpu.memory_space<hbm>>
      %dma_start3A_53 = tpu.memref_squeeze %dma_start3A_52 : memref<1x512xi32, #tpu.memory_space<hbm>> -> memref<512xi32, #tpu.memory_space<hbm>>
      %dma_start3A_54 = arith.constant 0 : i32
      %dma_start3A_55 = tpu.memref_slice %arg7[%run_scoped3A_45, %dma_start3A_54] : memref<2x512xi32, #tpu.memory_space<vmem>> -> memref<1x512xi32, #tpu.memory_space<vmem>>
      %dma_start3A_56 = tpu.memref_squeeze %dma_start3A_55 : memref<1x512xi32, #tpu.memory_space<vmem>> -> memref<512xi32, #tpu.memory_space<vmem>>
      tpu.enqueue_dma source(%dma_start3A_56 : memref<512xi32, #tpu.memory_space<vmem>>) target(%dma_start3A_53 : memref<512xi32, #tpu.memory_space<hbm>>) target_semaphore(%run_scoped3A_47 : memref<!tpu.dma_semaphore, #tpu.memory_space<semaphore_mem>>)
      %dma_wait3A = arith.constant 0 : i32
      %dma_wait3A_57 = tpu.memref_slice %arg7[%run_scoped3A_45, %dma_wait3A] : memref<2x512xi32, #tpu.memory_space<vmem>> -> memref<1x512xi32, #tpu.memory_space<vmem>>
      %dma_wait3A_58 = tpu.memref_squeeze %dma_wait3A_57 : memref<1x512xi32, #tpu.memory_space<vmem>> -> memref<512xi32, #tpu.memory_space<vmem>>
      %dma_wait3A_59 = tpu.memref_slice %arg4[%run_scoped3A_46, %mul3A_2] : memref<2x16384xi32, #tpu.memory_space<hbm>> -> memref<1x512xi32, #tpu.memory_space<hbm>>
      %dma_wait3A_60 = tpu.memref_squeeze %dma_wait3A_59 : memref<1x512xi32, #tpu.memory_space<hbm>> -> memref<512xi32, #tpu.memory_space<hbm>>
      %dma_wait3A_61 = tpu.memref_slice %arg4[%run_scoped3A_46, %mul3A_2] : memref<2x16384xi32, #tpu.memory_space<hbm>> -> memref<1x512xi32, #tpu.memory_space<hbm>>
      %dma_wait3A_62 = tpu.memref_squeeze %dma_wait3A_61 : memref<1x512xi32, #tpu.memory_space<hbm>> -> memref<512xi32, #tpu.memory_space<hbm>>
      %dma_wait3A_63 = arith.constant 0 : i32
      %dma_wait3A_64 = tpu.memref_slice %arg7[%run_scoped3A_45, %dma_wait3A_63] : memref<2x512xi32, #tpu.memory_space<vmem>> -> memref<1x512xi32, #tpu.memory_space<vmem>>
      %dma_wait3A_65 = tpu.memref_squeeze %dma_wait3A_64 : memref<1x512xi32, #tpu.memory_space<vmem>> -> memref<512xi32, #tpu.memory_space<vmem>>
      tpu.wait_dma2 semaphore(%run_scoped3A_47 : memref<!tpu.dma_semaphore, #tpu.memory_space<semaphore_mem>>) src(%dma_wait3A_65 : memref<512xi32, #tpu.memory_space<vmem>>) dst(%dma_wait3A_62 : memref<512xi32, #tpu.memory_space<hbm>>)
      tpu.yield
    }) : () -> ()
    return
  }
}

module attributes {stable_mosaic.version = 14 : i64} {
  func.func @_logits_body(%arg0: i32, %arg1: memref<1024x2048xf32, #tpu.memory_space<vmem>>, %arg2: memref<2048x16xf32, #tpu.memory_space<vmem>>, %arg3: memref<16x1xf32, #tpu.memory_space<vmem>>, %arg4: memref<16x1024xf32, #tpu.memory_space<vmem>>, %arg5: memref<1x1xf32, #tpu.memory_space<vmem>>, %arg6: memref<16x128xf32, #tpu.memory_space<vmem>>) attributes {dimension_semantics = [#tpu.dimension_semantics<arbitrary>], iteration_bounds = array<i64: 16>, scalar_prefetch = 0 : i64, scratch_operands = 1 : i64, tpu.core_type = #tpu.core_type<tc>, window_params = [{transform_indices = @transform_0, window_bounds = array<i64: 1024, 2048>}, {pipeline_mode = #tpu.pipeline_mode<synchronous>, transform_indices = @transform_1, window_bounds = array<i64: 2048, 16>}, {pipeline_mode = #tpu.pipeline_mode<synchronous>, transform_indices = @transform_2, window_bounds = array<i64: 16, 1>}, {transform_indices = @transform_3, window_bounds = array<i64: 16, 1024>}, {pipeline_mode = #tpu.pipeline_mode<synchronous>, transform_indices = @transform_4, window_bounds = array<i64: 1, 1>}]} {
    %eq3A = arith.constant 0 : i32
    %eq3A_0 = arith.cmpi eq, %arg0, %eq3A : i32
    %convert_element_type3A = arith.extui %eq3A_0 : i1 to i32
    %cond3A = arith.constant 0 : i32
    %cond3A_1 = arith.cmpi ne, %convert_element_type3A, %cond3A : i32
    scf.if %cond3A_1 {
      %broadcast_in_dim3A_33 = arith.constant 0.000000e+00 : f32
      %broadcast_in_dim3A_34 = vector.broadcast %broadcast_in_dim3A_33 : f32 to vector<16x128xf32>
      %swap3A_35 = arith.constant 0 : index
      %swap3A_36 = arith.constant 0 : index
      %swap3A_37 = vector.load %arg6[%swap3A_35, %swap3A_36] : memref<16x128xf32, #tpu.memory_space<vmem>>, vector<16x128xf32>
      tpu.vector_store %arg6[%swap3A_35, %swap3A_36], %broadcast_in_dim3A_34 {strides = array<i32>} : memref<16x128xf32, #tpu.memory_space<vmem>>, vector<16x128xf32>,
    } else {
    }
    %get3A = arith.constant 0 : index
    %get3A_2 = arith.constant 0 : index
    %get3A_3 = vector.load %arg1[%get3A, %get3A_2] : memref<1024x2048xf32, #tpu.memory_space<vmem>>, vector<1024x2048xf32>
    %get3A_4 = arith.constant 0 : index
    %get3A_5 = arith.constant 0 : index
    %get3A_6 = vector.load %arg2[%get3A_4, %get3A_5] : memref<2048x16xf32, #tpu.memory_space<vmem>>, vector<2048x16xf32>
    %dot_general3A = arith.constant dense<0.000000e+00> : vector<1024x16xf32>
    %dot_general3A_7 = tpu.matmul %get3A_3, %get3A_6, %dot_general3A {dimension_numbers = #tpu.dot_dimension_numbers<[1], [0], [0], [1], [0, 0, 1, 1], [], []>, transpose_lhs_hint = false} : vector<1024x2048xf32>, vector<2048x16xf32>, vector<1024x16xf32> -> vector<1024x16xf32>
    %transpose3A = tpu.transpose %dot_general3A_7, [1, 0] : vector<1024x16xf32> -> vector<16x1024xf32>
    %get3A_8 = arith.constant 0 : index
    %get3A_9 = arith.constant 0 : index
    %get3A_10 = vector.load %arg3[%get3A_8, %get3A_9] : memref<16x1xf32, #tpu.memory_space<vmem>>, vector<16x1xf32>
    %add3A = vector.broadcast %get3A_10 : vector<16x1xf32> to vector<16x1024xf32>
    %add3A_11 = arith.addf %transpose3A, %add3A : vector<16x1024xf32>
    %swap3A = arith.constant 0 : index
    %swap3A_12 = arith.constant 0 : index
    %swap3A_13 = vector.load %arg4[%swap3A, %swap3A_12] : memref<16x1024xf32, #tpu.memory_space<vmem>>, vector<16x1024xf32>
    tpu.vector_store %arg4[%swap3A, %swap3A_12], %add3A_11 {strides = array<i32>} : memref<16x1024xf32, #tpu.memory_space<vmem>>, vector<16x1024xf32>,
    %reduce_max3A = arith.constant dense<0xFF800000> : vector<1024xf32>
    %reduce_max3A_14 = vector.multi_reduction <maximumf>, %add3A_11, %reduce_max3A [0] : vector<16x1024xf32> to vector<1024xf32>
    %broadcast_in_dim3A = vector.shape_cast %reduce_max3A_14 : vector<1024xf32> to vector<1x1024xf32>
    %sub3A = vector.broadcast %broadcast_in_dim3A : vector<1x1024xf32> to vector<16x1024xf32>
    %sub3A_15 = arith.subf %add3A_11, %sub3A : vector<16x1024xf32>
    %exp3A = math.exp %sub3A_15 : vector<16x1024xf32>
    %reduce_sum3A = arith.constant dense<0.000000e+00> : vector<1024xf32>
    %reduce_sum3A_16 = vector.multi_reduction <add>, %exp3A, %reduce_sum3A [0] : vector<16x1024xf32> to vector<1024xf32>
    %broadcast_in_dim3A_17 = vector.shape_cast %reduce_sum3A_16 : vector<1024xf32> to vector<1x1024xf32>
    %div3A = vector.broadcast %broadcast_in_dim3A_17 : vector<1x1024xf32> to vector<16x1024xf32>
    %div3A_18 = arith.divf %exp3A, %div3A : vector<16x1024xf32>
    %reshape3A = vector.shape_cast %div3A_18 : vector<16x1024xf32> to vector<16x8x128xf32>
    %get3A_19 = arith.constant 0 : index
    %get3A_20 = arith.constant 0 : index
    %get3A_21 = vector.load %arg6[%get3A_19, %get3A_20] : memref<16x128xf32, #tpu.memory_space<vmem>>, vector<16x128xf32>
    %reduce_sum3A_22 = arith.constant dense<0.000000e+00> : vector<16x128xf32>
    %reduce_sum3A_23 = vector.multi_reduction <add>, %reshape3A, %reduce_sum3A_22 [1] : vector<16x8x128xf32> to vector<16x128xf32>
    %add3A_24 = arith.addf %get3A_21, %reduce_sum3A_23 : vector<16x128xf32>
    %swap3A_25 = arith.constant 0 : index
    %swap3A_26 = arith.constant 0 : index
    %swap3A_27 = vector.load %arg6[%swap3A_25, %swap3A_26] : memref<16x128xf32, #tpu.memory_space<vmem>>, vector<16x128xf32>
    tpu.vector_store %arg6[%swap3A_25, %swap3A_26], %add3A_24 {strides = array<i32>} : memref<16x128xf32, #tpu.memory_space<vmem>>, vector<16x128xf32>,
    %eq3A_28 = arith.constant 15 : i32
    %eq3A_29 = arith.cmpi eq, %arg0, %eq3A_28 : i32
    %convert_element_type3A_30 = arith.extui %eq3A_29 : i1 to i32
    %cond3A_31 = arith.constant 0 : i32
    %cond3A_32 = arith.cmpi ne, %convert_element_type3A_30, %cond3A_31 : i32
    scf.if %cond3A_32 {
      %get3A_33 = arith.constant 0 : index
      %get3A_34 = arith.constant 0 : index
      %get3A_35 = vector.load %arg6[%get3A_33, %get3A_34] : memref<16x128xf32, #tpu.memory_space<vmem>>, vector<16x128xf32>
      %reduce_sum3A_36 = arith.constant dense<0.000000e+00> : vector<16xf32>
      %reduce_sum3A_37 = vector.multi_reduction <add>, %get3A_35, %reduce_sum3A_36 [1] : vector<16x128xf32> to vector<16xf32>
      %broadcast_in_dim3A_38 = vector.shape_cast %reduce_sum3A_37 : vector<16xf32> to vector<16x1xf32>
      %reduce_sum3A_39 = vector.shape_cast %broadcast_in_dim3A_38 : vector<16x1xf32> to vector<1x16x1xf32>
      %reduce_sum3A_40 = arith.constant dense<0.000000e+00> : vector<1xf32>
      %reduce_sum3A_41 = vector.multi_reduction <add>, %reduce_sum3A_39, %reduce_sum3A_40 [1, 2] : vector<1x16x1xf32> to vector<1xf32>
      %reduce_sum3A_42 = vector.shape_cast %reduce_sum3A_41 : vector<1xf32> to vector<1x1x1xf32>
      %reduce_sum3A_43 = vector.extract %reduce_sum3A_42[0, 0, 0] : f32 from vector<1x1x1xf32>
      %div3A_44 = vector.broadcast %reduce_sum3A_43 : f32 to vector<16x1xf32>
      %div3A_45 = arith.divf %broadcast_in_dim3A_38, %div3A_44 : vector<16x1xf32>
      %reduce_sum3A_46 = vector.shape_cast %div3A_45 : vector<16x1xf32> to vector<1x16x1xf32>
      %reduce_sum3A_47 = arith.constant dense<0.000000e+00> : vector<1xf32>
      %reduce_sum3A_48 = vector.multi_reduction <add>, %reduce_sum3A_46, %reduce_sum3A_47 [1, 2] : vector<1x16x1xf32> to vector<1xf32>
      %reduce_sum3A_49 = vector.shape_cast %reduce_sum3A_48 : vector<1xf32> to vector<1x1x1xf32>
      %reduce_sum3A_50 = vector.extract %reduce_sum3A_49[0, 0, 0] : f32 from vector<1x1x1xf32>
      %div3A_51 = arith.constant 1.600000e+01 : f32
      %div3A_52 = arith.divf %reduce_sum3A_50, %div3A_51 : f32
      %sub3A_53 = vector.broadcast %div3A_52 : f32 to vector<16x1xf32>
      %sub3A_54 = arith.subf %div3A_45, %sub3A_53 : vector<16x1xf32>
      %integer_pow3A = arith.mulf %sub3A_54, %sub3A_54 : vector<16x1xf32>
      %reduce_sum3A_55 = vector.shape_cast %integer_pow3A : vector<16x1xf32> to vector<1x16x1xf32>
      %reduce_sum3A_56 = arith.constant dense<0.000000e+00> : vector<1xf32>
      %reduce_sum3A_57 = vector.multi_reduction <add>, %reduce_sum3A_55, %reduce_sum3A_56 [1, 2] : vector<1x16x1xf32> to vector<1xf32>
      %reduce_sum3A_58 = vector.shape_cast %reduce_sum3A_57 : vector<1xf32> to vector<1x1x1xf32>
      %reduce_sum3A_59 = vector.extract %reduce_sum3A_58[0, 0, 0] : f32 from vector<1x1x1xf32>
      %div3A_60 = arith.constant 1.600000e+01 : f32
      %div3A_61 = arith.divf %reduce_sum3A_59, %div3A_60 : f32
      %sqrt3A = math.sqrt %div3A_61 : f32
      %reshape3A_62 = vector.broadcast %sqrt3A : f32 to vector<1x1xf32>
      %div3A_63 = vector.broadcast %div3A_52 : f32 to vector<1x1xf32>
      %div3A_64 = arith.divf %reshape3A_62, %div3A_63 : vector<1x1xf32>
      %swap3A_65 = arith.constant 0 : index
      %swap3A_66 = arith.constant 0 : index
      %swap3A_67 = vector.load %arg5[%swap3A_65, %swap3A_66] : memref<1x1xf32, #tpu.memory_space<vmem>>, vector<1x1xf32>
      tpu.vector_store %arg5[%swap3A_65, %swap3A_66], %div3A_64 {strides = array<i32>} : memref<1x1xf32, #tpu.memory_space<vmem>>, vector<1x1xf32>,
    } else {
    }
    return
  }
  func.func @transform_0(%arg0: i32) -> (i32, i32) {
    %c0_i32 = arith.constant 0 : i32
    %c0_i32_0 = arith.constant 0 : i32
    return %arg0, %c0_i32 : i32, i32
  }
  func.func @transform_1(%arg0: i32) -> (i32, i32) {
    %c0_i32 = arith.constant 0 : i32
    %c0_i32_0 = arith.constant 0 : i32
    %c0_i32_1 = arith.constant 0 : i32
    return %c0_i32, %c0_i32_0 : i32, i32
  }
  func.func @transform_2(%arg0: i32) -> (i32, i32) {
    %c0_i32 = arith.constant 0 : i32
    %c0_i32_0 = arith.constant 0 : i32
    %c0_i32_1 = arith.constant 0 : i32
    return %c0_i32, %c0_i32_0 : i32, i32
  }
  func.func @transform_3(%arg0: i32) -> (i32, i32) {
    %c0_i32 = arith.constant 0 : i32
    %c0_i32_0 = arith.constant 0 : i32
    return %c0_i32, %arg0 : i32, i32
  }
  func.func @transform_4(%arg0: i32) -> (i32, i32) {
    %c0_i32 = arith.constant 0 : i32
    %c0_i32_0 = arith.constant 0 : i32
    %c0_i32_1 = arith.constant 0 : i32
    return %c0_i32, %c0_i32_0 : i32, i32
  }
}

</mosaic_0001>

<sc_bundles>
// kernel: kernel.4.cloned.1.call-start
scs
__scs_entry_jumppad:
0x0: {  	(pc) =	sbr.rel $0x88, $3  }
0x1: {  	(tag) =	ssettag $0x0;
	lr =	simm.s32 $0x1  }
0x2: {  	[smem:$0x3F9E] =	sst lr;
	_ =	strace $0xD0000000  }
0x3: {  	_ = 	snop  }
0x4: {  	_ = 	snop  }
0x5: {  	_ = 	snop  }
0x6: {  	_ = 	snop  }
0x7: {  	_ = 	snop  }
__scs_overlays_trampoline_lowered:
0x8: {  	[smem:$0x3FAD] =	sst s0  }
0x9: {  	[smem:$0x3FAE] =	sst s1  }
0xa: {  	[smem:$0x3FAF] =	sst s2  }
0xb: {  	[smem:$0x3FB0] =	sst s3  }
0xc: {  	[smem:$0x3FB1] =	sst s4  }
0xd: {  	[smem:$0x3FB2] =	sst s5  }
0xe: {  	[smem:$0x3FB3] =	sst s6  }
0xf: {  	[smem:$0x3FB4] =	sst s7  }
0x10: {  	[smem:$0x3FB5] =	sst s8  }
0x11: {  	[smem:$0x3FB6] =	sst s9;
	s0 =	simm.s32 @!p0 $0x0  }
0x12: {  	s1 =	sld [smem:$0x3F9C];
	s0 =	simm.s32 @p0 $0x1  }
0x13: {  	[smem:$0x3FB7] =	sst s0;
	s0 =	simm.s32 @!p1 $0x0  }
0x14: {  	s2 =	sld [smem:$0x3F9B];
	s0 =	simm.s32 @p1 $0x1  }
0x15: {  	[smem:$0x3FB8] =	sst s0;
	s0 =	simm.s32 @!p2 $0x0  }
0x16: {  	s3 =	sld [smem:$0x3FDB];
	s0 =	simm.s32 @p2 $0x1  }
0x17: {  	s4 =	simm.s32 $0x1BF5;
	[smem:$0x3FBA] =	sst s0  }
0x18: {  	s0 =	sld [smem:$0x3F9D];
	_ =	swait.ge [sflag:s4], $0x0  }
0x19: {  	s7 =	sld [smem:$0x3F9E]  }
0x1a: {  	s8 =	sadd.s32 $0xFFFFE003, lr  }
0x1b: {  	s9 =	sadd.s32 $0xFFFFFEF7, lr;
	s5 =	simm.s32 $0xFFFFFFFF;
	p2 =	slt.u32 s8, $0xFFFFF086  }
0x1c: {  	p1 =	slt.u32 s9, $0xF7A;
	s5 =	simm.s32 @!p2 $0x0  }
0x1d: {  	s5 =	simm.s32 @p1 $0x1;
	p0 =	seq.s32 s7, s2  }
0x1e: {  	s7 =	smul.u32 @!p0 $0xF7A, s2;
	p2 =	seq.s32 @!p0 s5, $0x0  }
0x1f: {  	s9 =	smul.u32 $0xF7A, s1;
	s8 =	simm.s32 @!p0 $0x1BF5;
	p2 =	por !p2, p0  }
0x20: {  	[sflag:s8] =	ssyncset.s32 @!p0 $0xFFFFF086;
	s6 =	sadd.s32 @!p0 s3, s7;
	s7 =	simm.s32 @!p0 $0x108  }
0x21: {  	s3 =	sadd.s32 s3, s9;
	s6 =	sadd.s32 @!p0 $0x88, s6;
	s7 =	simm.s32 @p2 $0x1082  }
0x22: {  	[simem:s7], [sflag:s8] =	dma.local @!p0 [hbm:s6], $0xF7A  }
0x23: {  	s9 =	sor.u32 $0xD0000000, s2;
	s6 =	simm.s32 $0x108;
	_ =	swait.ge @!p0 [sflag:s8], $0x0  }
0x24: {  	s3 =	sadd.s32 $0x88, s3;
	s6 =	simm.s32 @!p1 $0x1082;
	[sflag:s4] =	ssyncset.s32 $0xFFFFF086  }
0x25: {  	[simem:s6], [sflag:s4] =	dma.local [hbm:s3], $0xF7A  }
0x26: {  	[smem:$0x3F9E] =	sst s1;
	(tag) =	ssettag s2;
	_ =	strace s9  }
0x27: {  	s1 =	sld [smem:$0x3FAE]  }
0x28: {  	s2 =	sld [smem:$0x3FAF]  }
0x29: {  	s4 =	sld [smem:$0x3FB1]  }
0x2a: {  	p0 =	seq.s32 s5, $0x0;
	s5 =	sld [smem:$0x3FB2]  }
0x2b: {  	s6 =	sld [smem:$0x3FB3]  }
0x2c: {  	s7 =	sld [smem:$0x3FB4]  }
0x2d: {  	s3 =	simm.s32 $0x108;
	s8 =	sld [smem:$0x3FB5]  }
0x2e: {  	s3 =	simm.s32 @!p0 $0x1082;
	s9 =	sld [smem:$0x3FB6]  }
0x2f: {  	lr =	sadd.s32 s0, s3;
	s0 =	sld [smem:$0x3FAD]  }
0x30: {  	s3 =	sld [smem:$0x3FB0]  }
0x31: {  	[smem:$0x3FB9] =	sst s10  }
0x32: {  	s10 =	sld [smem:$0x3FB7];
	_ =	sdelay $0x3  }
0x33: {  	p0 =	seq.s32 s10, $0x1;
	s10 =	sld [smem:$0x3FB9];
	_ =	sdelay $0x3  }
0x34: {  	[smem:$0x3FB9] =	sst s10  }
0x35: {  	s10 =	sld [smem:$0x3FB8];
	_ =	sdelay $0x3  }
0x36: {  	p1 =	seq.s32 s10, $0x1;
	s10 =	sld [smem:$0x3FB9];
	_ =	sdelay $0x3  }
0x37: {  	[smem:$0x3FB9] =	sst s10  }
0x38: {  	s10 =	sld [smem:$0x3FBA]  }
0x39: {  	_ = 	snop;
	(pc) =	sbr.ind lr, $3  }
0x3a: {  	_ = 	snop  }
0x3b: {  	_ = 	snop  }
0x3c: {  	p2 =	seq.s32 s10, $0x1;
	s10 =	sld [smem:$0x3FB9]  }
0x3d: {  	_ =	shalt  }
0x3e: {  	_ =	shalt  }
0x3f: {  	_ =	shalt  }
0x40: {  	_ =	shalt  }
0x41: {  	_ =	shalt  }
0x42: {  	_ =	shalt  }
0x43: {  	_ =	shalt  }
0x44: {  	_ =	shalt  }
0x45: {  	_ =	shalt  }
0x46: {  	_ =	shalt  }
0x47: {  	_ =	shalt  }
0x48: {  	_ =	shalt  }
0x49: {  	_ =	shalt  }
0x4a: {  	_ =	shalt  }
0x4b: {  	_ =	shalt  }
0x4c: {  	_ =	shalt  }
0x4d: {  	_ =	shalt  }
0x4e: {  	_ =	shalt  }
0x4f: {  	_ =	shalt  }
0x50: {  	_ =	shalt  }
0x51: {  	_ =	shalt  }
0x52: {  	_ =	shalt  }
0x53: {  	_ =	shalt  }
0x54: {  	_ =	shalt  }
0x55: {  	_ =	shalt  }
0x56: {  	_ =	shalt  }
0x57: {  	_ =	shalt  }
0x58: {  	_ =	shalt  }
0x59: {  	_ =	shalt  }
0x5a: {  	_ =	shalt  }
0x5b: {  	_ =	shalt  }
0x5c: {  	_ =	shalt  }
0x5d: {  	_ =	shalt  }
0x5e: {  	_ =	shalt  }
0x5f: {  	_ =	shalt  }
0x60: {  	_ =	shalt  }
0x61: {  	_ =	shalt  }
0x62: {  	_ =	shalt  }
0x63: {  	_ =	shalt  }
0x64: {  	_ =	shalt  }
0x65: {  	_ =	shalt  }
0x66: {  	_ =	shalt  }
0x67: {  	_ =	shalt  }
0x68: {  	_ =	shalt  }
0x69: {  	_ =	shalt  }
0x6a: {  	_ =	shalt  }
0x6b: {  	_ =	shalt  }
0x6c: {  	_ =	shalt  }
0x6d: {  	_ =	shalt  }
0x6e: {  	_ =	shalt  }
0x6f: {  	_ =	shalt  }
0x70: {  	_ =	shalt  }
0x71: {  	_ =	shalt  }
0x72: {  	_ =	shalt  }
0x73: {  	_ =	shalt  }
0x74: {  	_ =	shalt  }
0x75: {  	_ =	shalt  }
0x76: {  	_ =	shalt  }
0x77: {  	_ =	shalt  }
0x78: {  	_ =	shalt  }
0x79: {  	_ =	shalt  }
0x7a: {  	_ =	shalt  }
0x7b: {  	_ =	shalt  }
0x7c: {  	_ =	shalt  }
0x7d: {  	_ =	shalt  }
0x7e: {  	_ =	shalt  }
0x7f: {  	_ =	shalt  }
0x80: {  	_ =	shalt  }
0x81: {  	_ =	shalt  }
0x82: {  	_ =	shalt  }
0x83: {  	_ =	shalt  }
0x84: {  	_ =	shalt  }
0x85: {  	_ =	shalt  }
0x86: {  	_ =	shalt  }
0x87: {  	_ =	shalt  }
.Lfunc_end0:
.L_simem_size_0:
called_computation_lowered:
.L_overlay_start_0:
0x88: {  	s2 =	sld [smem:$0x3FD9]  }
0x89: {  	s3 =	sld [smem:$0x3FFE];
	_ =	sdelay $0x1  }
0x8a: {  	s1 =	srdreg.scid  }
0x8b: {  	s0 =	sand.u32 $0x1, s1  }
0x8c: {  	s14 =	sshll.u32 s0, $0xA;
	s2 =	sadd.s32 s3, s2  }
0x8d: {  	s2 =	sadd.s32 s2, s14  }
0x8e: {  	[smem:$0x3FC5] =	sst s2  }
0x8f: {  	_ = 	snop  }
0x90: {  	s2 =	sld [smem:$0x3FD0];
	_ =	sdelay $0x2  }
0x91: {  	s15 =	simm.s32 $0xA;
	s4 =	simm.s32 $0x10  }
0x92: {  	[smem:s4], [sflag:s15] =	dma.local [hbm:s2], $0x1  }
0x93: {  	_ =	swait.eq [sflag:s15], $0x1  }
0x94: {  	[sflag:s15] =	ssyncset.done $0x0  }
0x95: {  	s16 =	sld [smem:$0x10];
	[sflag:s15] =	ssyncadd.s32 $0xFFFFFFFF  }
0x96: {  	s17 =	sld [smem:$0x11];
	(tm) =	ssettm $0x1  }
0x97: {  	s18 =	sld [smem:$0x3FFB];
	_ =	sdelay $0x3  }
0x98: {  	_ =	strace s18  }
0x99: {  	s4 =	sld [smem:$0x3FFC];
	_ =	sdelay $0x3  }
0x9a: {  	_ =	strace s4  }
0x9b: {  	s4 =	sld [smem:$0x3FFD];
	_ =	sdelay $0x3  }
0x9c: {  	_ =	strace s4  }
0x9d: {  	_ =	strace $0x8FFFFFFF  }
0x9e: {  	s19 =	sld [smem:$0x3FDB];
	_ =	sdelay $0x1  }
0x9f: {  	s5 =	simm.s32 $_scs_section_size  }
0xa0: {  	s6 =	simm.s32 $_size__tile_overlayer_lowered;
	s7 =	simm.s32 $_tile_overlayer_lowered  }
0xa1: {  	s22 =	simm.s32 $0x1BFF;
	s21 =	sshll.u32 s7, $0x1;
	s4 =	sadd.s32 s5, s19  }
0xa2: {  	s8 =	simm.s32 $0x0;
	s20 =	sshll.u32 s6, $0x1;
	s6 =	sadd.s32 s21, s4  }
0xa3: {  	[timem:s8], [sflag:s22] =	dma.local [hbm:s6], s20  }
0xa4: {  	_ =	swait.ge [sflag:s22], s20  }
0xa5: {  	s5 =	ssub.s32 $0x0, s20;
	[sflag:s22] =	ssyncset.done $0x0  }
0xa6: {  	[sflag:s22] =	ssyncadd.s32 s5;
	_ =	sdelay $0x1  }
0xa7: {  	s23 =	simm.s32 $0x1B8B  }
0xa8: {  	_ =	swait.ge [sflag:s23], $0x1  }
0xa9: {  	[sflag:s23] =	ssyncset.done $0x0  }
0xaa: {  	s25 =	simm.s32 $0x1B8E;
	s24 =	sld [smem:$0x3FFE];
	[sflag:s23] =	ssyncadd.s32 $0xFFFFFFFF  }
0xab: {  	s26 =	simm.s32 $execute0_lowered;
	[smem:$0x3FD2] =	sst s25  }
0xac: {  	s6 =	sshll.u32 s26, $0x1;
	_ =	strace $0x80000046;
	[dreg:$0x1] =	wrdreg $0xFFFFFFFF  }
0xad: {  	s28 =	simm.s32 $_size_execute0_lowered;
	s4 =	sadd.s32 s4, s6;
	[dreg:$0x0] =	wrdreg $0x0  }
0xae: {  	s6 =	sshll.u32 s28, $0x1;
	[dreg:$0x2] =	wrdreg s4  }
0xaf: {  	[dreg:$0x3] =	wrdreg s6  }
0xb0: {  	[dreg:$0x4] =	wrdreg $0xC0  }
0xb1: {  	_ =	task [dreg:s8], $0x5FFFF  }
0xb2: {  	[dreg:$0x1] =	wrdreg $0xFFFFFFFF  }
0xb3: {  	[dreg:$0x0] =	wrdreg $0x60  }
0xb4: {  	[dreg:$0x2] =	wrdreg s24  }
0xb5: {  	[dreg:$0x3] =	wrdreg s16  }
0xb6: {  	[dreg:$0x4] =	wrdreg s17  }
0xb7: {  	[dreg:$0x5] =	wrdreg $0x9  }
0xb8: {  	_ =	task.clear_ibuf [dreg:s8], $0x6FFFF;
	_ =	strace $0x90000046  }
0xb9: {  	s29 =	simm.s32 $0x9;
	_ =	strace $0x80000048  }
0xba: {  	_ =	swait.ge [sflag:s29], $0x1  }
0xbb: {  	[sflag:s29] =	ssyncadd.s32 $0xFFFFFFFF  }
0xbc: {  	_ =	strace $0x90000048  }
0xbd: {  	_ =	sfence  }
0xbe: {  	s30 =	sld [smem:$0x0];
	_ =	sdelay $0x2  }
0xbf: {  	s31 =	sshll.u32 s1, $0xD;
	s1 =	sshrl.u32 s1, $0x2  }
0xc0: {  	s3 =	sand.u32 $0x4000, s31;
	s1 =	sadd.s32 s1, s30  }
0xc1: {  	s0 =	sor.u32 s3, s0;
	s1 =	sshll.u32 s1, $0x11  }
0xc2: {  	s0 =	sor.u32 s1, s0  }
0xc3: {  	s0 =	sadd.s32 $0x8F2B, s0  }
0xc4: {  	[sflag:s0] =	ssyncadd.remote.s32 $0x1  }
0xc5: {  	_ =	sfence.sel $0xFFFF  }
0xc6: {  	[dreg:$0x0] =	wrdreg $0xFFFFFFFF;
	(pc) =	sbr.abs _section_cstart, $3  }
0xc7: {  	[dreg:$0x1] =	wrdreg $0xFFFFFFFF  }
0xc8: {  	_ =	task.clear_ibuf [dreg:s8], $0x2FFFF;
	_ =	strace $0x9FFFFFFF  }
0xc9: {  	(tm) =	ssettm $0x7FFFFFFF  }
tec
execute0_lowered:
.L_overlay_start_1:
0x0: {  	(tag) =	ssettag $0x1  }
0x1: {  	s0 =	rddreg [dreg:$0x0]  }
0x2: {  	s1 =	rddreg [dreg:$0x1]  }
0x3: {  	s3 =	rddreg [dreg:$0x2];
	s2 =	srdreg.scid  }
0x4: {  	s5 =	stileid.u32;
	s31 =	simm.s32 $0x1;
	s4 =	sand.u32 $0x1, s2  }
0x5: {  	s2 =	simm.s32 $0x0;
	s5 =	sshll.u32 s5, $0xA;
	s6 =	sshll.u32 s4, $0x9  }
0x6: {  	[smem:$0x7FF] =	sst s2;
	s4 =	ssub.s32 $0x2, s4;
	s19 =	sor.u32 s6, s5  }
0x7: {  	_ =	strace $0x80000047;
	s25 =	sshrl.u32 s4, $0x1;
	s0 =	sadd.s32 s19, s0  }
0x8: {  	s23 =	ssub.s32 s4, s25;
	s21 =	sshrl.u32 s19, $0x2;
	s26 =	sadd.s32 $0xC00, s0  }
0x9: {  	s4 =	sadd.s32 $0xC10, s0;
	s5 =	sadd.s32 $0xC20, s0;
	s6 =	sadd.s32 $0xC30, s0  }
0xa: {  	s7 =	sadd.s32 $0xC40, s0;
	s8 =	sadd.s32 $0xC50, s0;
	s9 =	sadd.s32 $0xC60, s0  }
0xb: {  	s10 =	sadd.s32 $0xC70, s0;
	s11 =	sadd.s32 $0x4C00, s0;
	s12 =	sadd.s32 $0x4C10, s0  }
0xc: {  	s13 =	sadd.s32 $0x4C20, s0;
	s14 =	sadd.s32 $0x4C30, s0;
	s15 =	sadd.s32 $0x4C40, s0  }
0xd: {  	s16 =	sadd.s32 $0x4C50, s0;
	s17 =	sadd.s32 $0x4C60, s0;
	s18 =	sadd.s32 $0x4C70, s0  }
0xe: {  	s19 =	sadd.s32 s1, s21;
	s28 =	smax.u32 s23, $0x1;
	[dreg:$0x4] =	wrdreg s26  }
0xf: {  	s20 =	sadd.s32 s3, s21;
	s29 =	sadd.s32 $0xC80, s0;
	[dreg:$0x5] =	wrdreg s28  }
0x10: {  	s22 =	sor.u32 $0x10, s21;
	s30 =	sadd.s32 $0xD00, s0;
	[dreg:$0x6] =	wrdreg s29  }
0x11: {  	s0 =	sadd.s32 $0xD80, s0;
	s21 =	sadd.s32 s1, s22;
	[dreg:$0x7] =	wrdreg s30  }
0x12: {  	v0 =	vimm.s32 $0x0;
	s22 =	sadd.s32 s3, s22;
	[dreg:$0x8] =	wrdreg s0;
	s1 =	simm.s32 $0x0  }
.LBB2_1:
0x13: {  	s0 =	rddreg [dreg:$0x4]  }
0x14: {  	[tilespmem:s2], [sflag:$0x1] =	stream.linear.gather [hbm4b:s0+s2], $0x80, $0x38;
	[tilespmem:$0x2800] =	vst v63  }
0x15: {  	s24 =	rddreg [dreg:$0x6];
	s3 =	simm.s32 $0x400  }
0x16: {  	[tilespmem:s3], [sflag:$0x1] =	stream.linear.gather [hbm4b:s24+s2], $0x80, $0x38;
	[tilespmem:$0x2800] =	vst v63  }
0x17: {  	s25 =	rddreg [dreg:$0x7];
	s26 =	simm.s32 $0x800  }
0x18: {  	[tilespmem:s26], [sflag:$0x1] =	stream.linear.gather [hbm4b:s25+s2], $0x80, $0x38;
	[tilespmem:$0x2800] =	vst v63  }
0x19: {  	s23 =	simm.s32 $0xC00;
	s3 =	rddreg [dreg:$0x8]  }
0x1a: {  	[tilespmem:s23], [sflag:$0x1] =	stream.linear.gather [hbm4b:s3+s2], $0x80, $0x38;
	[tilespmem:$0x2800] =	vst v63  }
0x1b: {  	_ =	swait.ge [sflag:s31], $0x200  }
0x1c: {  	[sflag:s31] =	ssyncset.done $0x0  }
0x1d: {  	s24 =	simm.s32 $0x80;
	[sflag:s31] =	ssyncadd.s32 $0xFFFFFE00  }
0x1e: {  	[tilespmem:s24], [sflag:$0x1] =	stream.linear.gather [hbm4b:s4+s2], $0x80, $0x38;
	[tilespmem:$0x2800] =	vst v63  }
0x1f: {  	s25 =	sadd.s32 $0x80, s4;
	s26 =	simm.s32 $0x480  }
0x20: {  	[tilespmem:s26], [sflag:$0x1] =	stream.linear.gather [hbm4b:s25+s2], $0x80, $0x38;
	[tilespmem:$0x2800] =	vst v63  }
0x21: {  	s23 =	sadd.s32 $0x100, s4;
	s24 =	simm.s32 $0x880  }
0x22: {  	[tilespmem:s24], [sflag:$0x1] =	stream.linear.gather [hbm4b:s23+s2], $0x80, $0x38;
	[tilespmem:$0x2800] =	vst v63  }
0x23: {  	s25 =	sadd.s32 $0x180, s4;
	s26 =	simm.s32 $0xC80  }
0x24: {  	[tilespmem:s26], [sflag:$0x1] =	stream.linear.gather [hbm4b:s25+s2], $0x80, $0x38;
	[tilespmem:$0x2800] =	vst v63  }
0x25: {  	_ =	swait.ge [sflag:s31], $0x200  }
0x26: {  	[sflag:s31] =	ssyncset.done $0x0  }
0x27: {  	s3 =	simm.s32 $0x100;
	[sflag:s31] =	ssyncadd.s32 $0xFFFFFE00  }
0x28: {  	[tilespmem:s3], [sflag:$0x1] =	stream.linear.gather [hbm4b:s5+s2], $0x80, $0x38;
	[tilespmem:$0x2800] =	vst v63  }
0x29: {  	s23 =	sadd.s32 $0x80, s5;
	s24 =	simm.s32 $0x500  }
0x2a: {  	[tilespmem:s24], [sflag:$0x1] =	stream.linear.gather [hbm4b:s23+s2], $0x80, $0x38;
	[tilespmem:$0x2800] =	vst v63  }
0x2b: {  	s25 =	sadd.s32 $0x100, s5;
	s26 =	simm.s32 $0x900  }
0x2c: {  	[tilespmem:s26], [sflag:$0x1] =	stream.linear.gather [hbm4b:s25+s2], $0x80, $0x38;
	[tilespmem:$0x2800] =	vst v63  }
0x2d: {  	s3 =	sadd.s32 $0x180, s5;
	s23 =	simm.s32 $0xD00  }
0x2e: {  	[tilespmem:s23], [sflag:$0x1] =	stream.linear.gather [hbm4b:s3+s2], $0x80, $0x38;
	[tilespmem:$0x2800] =	vst v63  }
0x2f: {  	_ =	swait.ge [sflag:s31], $0x200  }
0x30: {  	[sflag:s31] =	ssyncset.done $0x0  }
0x31: {  	s24 =	simm.s32 $0x180;
	[sflag:s31] =	ssyncadd.s32 $0xFFFFFE00  }
0x32: {  	[tilespmem:s24], [sflag:$0x1] =	stream.linear.gather [hbm4b:s6+s2], $0x80, $0x38;
	[tilespmem:$0x2800] =	vst v63  }
0x33: {  	s25 =	sadd.s32 $0x80, s6;
	s26 =	simm.s32 $0x580  }
0x34: {  	[tilespmem:s26], [sflag:$0x1] =	stream.linear.gather [hbm4b:s25+s2], $0x80, $0x38;
	[tilespmem:$0x2800] =	vst v63  }
0x35: {  	s23 =	sadd.s32 $0x100, s6;
	s24 =	simm.s32 $0x980  }
0x36: {  	[tilespmem:s24], [sflag:$0x1] =	stream.linear.gather [hbm4b:s23+s2], $0x80, $0x38;
	[tilespmem:$0x2800] =	vst v63  }
0x37: {  	s25 =	sadd.s32 $0x180, s6;
	s26 =	simm.s32 $0xD80  }
0x38: {  	[tilespmem:s26], [sflag:$0x1] =	stream.linear.gather [hbm4b:s25+s2], $0x80, $0x38;
	[tilespmem:$0x2800] =	vst v63  }
0x39: {  	_ =	swait.ge [sflag:s31], $0x200  }
0x3a: {  	[sflag:s31] =	ssyncset.done $0x0  }
0x3b: {  	s3 =	simm.s32 $0x200;
	[sflag:s31] =	ssyncadd.s32 $0xFFFFFE00  }
0x3c: {  	[tilespmem:s3], [sflag:$0x1] =	stream.linear.gather [hbm4b:s7+s2], $0x80, $0x38;
	[tilespmem:$0x2800] =	vst v63  }
0x3d: {  	s23 =	sadd.s32 $0x80, s7;
	s24 =	simm.s32 $0x600  }
0x3e: {  	[tilespmem:s24], [sflag:$0x1] =	stream.linear.gather [hbm4b:s23+s2], $0x80, $0x38;
	[tilespmem:$0x2800] =	vst v63  }
0x3f: {  	s25 =	sadd.s32 $0x100, s7;
	s26 =	simm.s32 $0xA00  }
0x40: {  	[tilespmem:s26], [sflag:$0x1] =	stream.linear.gather [hbm4b:s25+s2], $0x80, $0x38;
	[tilespmem:$0x2800] =	vst v63  }
0x41: {  	s3 =	sadd.s32 $0x180, s7;
	s23 =	simm.s32 $0xE00  }
0x42: {  	[tilespmem:s23], [sflag:$0x1] =	stream.linear.gather [hbm4b:s3+s2], $0x80, $0x38;
	[tilespmem:$0x2800] =	vst v63  }
0x43: {  	_ =	swait.ge [sflag:s31], $0x200  }
0x44: {  	[sflag:s31] =	ssyncset.done $0x0  }
0x45: {  	s24 =	simm.s32 $0x280;
	[sflag:s31] =	ssyncadd.s32 $0xFFFFFE00  }
0x46: {  	[tilespmem:s24], [sflag:$0x1] =	stream.linear.gather [hbm4b:s8+s2], $0x80, $0x38;
	[tilespmem:$0x2800] =	vst v63  }
0x47: {  	s25 =	sadd.s32 $0x80, s8;
	s26 =	simm.s32 $0x680  }
0x48: {  	[tilespmem:s26], [sflag:$0x1] =	stream.linear.gather [hbm4b:s25+s2], $0x80, $0x38;
	[tilespmem:$0x2800] =	vst v63  }
0x49: {  	s23 =	sadd.s32 $0x100, s8;
	s24 =	simm.s32 $0xA80  }
0x4a: {  	[tilespmem:s24], [sflag:$0x1] =	stream.linear.gather [hbm4b:s23+s2], $0x80, $0x38;
	[tilespmem:$0x2800] =	vst v63  }
0x4b: {  	s25 =	sadd.s32 $0x180, s8;
	s26 =	simm.s32 $0xE80  }
0x4c: {  	[tilespmem:s26], [sflag:$0x1] =	stream.linear.gather [hbm4b:s25+s2], $0x80, $0x38;
	[tilespmem:$0x2800] =	vst v63  }
0x4d: {  	_ =	swait.ge [sflag:s31], $0x200  }
0x4e: {  	[sflag:s31] =	ssyncset.done $0x0  }
0x4f: {  	s3 =	simm.s32 $0x300;
	[sflag:s31] =	ssyncadd.s32 $0xFFFFFE00  }
0x50: {  	[tilespmem:s3], [sflag:$0x1] =	stream.linear.gather [hbm4b:s9+s2], $0x80, $0x38;
	[tilespmem:$0x2800] =	vst v63  }
0x51: {  	s23 =	sadd.s32 $0x80, s9;
	s24 =	simm.s32 $0x700  }
0x52: {  	[tilespmem:s24], [sflag:$0x1] =	stream.linear.gather [hbm4b:s23+s2], $0x80, $0x38;
	[tilespmem:$0x2800] =	vst v63  }
0x53: {  	s25 =	sadd.s32 $0x100, s9;
	s26 =	simm.s32 $0xB00  }
0x54: {  	[tilespmem:s26], [sflag:$0x1] =	stream.linear.gather [hbm4b:s25+s2], $0x80, $0x38;
	[tilespmem:$0x2800] =	vst v63  }
0x55: {  	s3 =	sadd.s32 $0x180, s9;
	s23 =	simm.s32 $0xF00  }
0x56: {  	[tilespmem:s23], [sflag:$0x1] =	stream.linear.gather [hbm4b:s3+s2], $0x80, $0x38;
	[tilespmem:$0x2800] =	vst v63  }
0x57: {  	_ =	swait.ge [sflag:s31], $0x200  }
0x58: {  	[sflag:s31] =	ssyncset.done $0x0  }
0x59: {  	s24 =	simm.s32 $0x380;
	[sflag:s31] =	ssyncadd.s32 $0xFFFFFE00  }
0x5a: {  	[tilespmem:s24], [sflag:$0x1] =	stream.linear.gather [hbm4b:s10+s2], $0x80, $0x38;
	[tilespmem:$0x2800] =	vst v63  }
0x5b: {  	s25 =	sadd.s32 $0x80, s10;
	s26 =	simm.s32 $0x780  }
0x5c: {  	[tilespmem:s26], [sflag:$0x1] =	stream.linear.gather [hbm4b:s25+s2], $0x80, $0x38;
	[tilespmem:$0x2800] =	vst v63  }
0x5d: {  	s23 =	sadd.s32 $0x100, s10;
	s24 =	simm.s32 $0xB80  }
0x5e: {  	[tilespmem:s24], [sflag:$0x1] =	stream.linear.gather [hbm4b:s23+s2], $0x80, $0x38;
	[tilespmem:$0x2800] =	vst v63  }
0x5f: {  	s25 =	sadd.s32 $0x180, s10;
	s26 =	simm.s32 $0xF80  }
0x60: {  	[tilespmem:s26], [sflag:$0x1] =	stream.linear.gather [hbm4b:s25+s2], $0x80, $0x38;
	[tilespmem:$0x2800] =	vst v63  }
0x61: {  	_ =	swait.ge [sflag:s31], $0x200  }
0x62: {  	[sflag:s31] =	ssyncset.done $0x0  }
0x63: {  	s3 =	simm.s32 $0x1000;
	[sflag:s31] =	ssyncadd.s32 $0xFFFFFE00  }
0x64: {  	[tilespmem:s3], [sflag:$0x1] =	stream.linear.gather [hbm4b:s11+s2], $0x80, $0x38;
	[tilespmem:$0x2800] =	vst v63  }
0x65: {  	s23 =	sadd.s32 $0x80, s11;
	s24 =	simm.s32 $0x1400  }
0x66: {  	[tilespmem:s24], [sflag:$0x1] =	stream.linear.gather [hbm4b:s23+s2], $0x80, $0x38;
	[tilespmem:$0x2800] =	vst v63  }
0x67: {  	s25 =	sadd.s32 $0x100, s11;
	s26 =	simm.s32 $0x1800  }
0x68: {  	[tilespmem:s26], [sflag:$0x1] =	stream.linear.gather [hbm4b:s25+s2], $0x80, $0x38;
	[tilespmem:$0x2800] =	vst v63  }
0x69: {  	s3 =	sadd.s32 $0x180, s11;
	s23 =	simm.s32 $0x1C00  }
0x6a: {  	[tilespmem:s23], [sflag:$0x1] =	stream.linear.gather [hbm4b:s3+s2], $0x80, $0x38;
	[tilespmem:$0x2800] =	vst v63  }
0x6b: {  	_ =	swait.ge [sflag:s31], $0x200  }
0x6c: {  	[sflag:s31] =	ssyncset.done $0x0  }
0x6d: {  	s24 =	simm.s32 $0x1080;
	[sflag:s31] =	ssyncadd.s32 $0xFFFFFE00  }
0x6e: {  	[tilespmem:s24], [sflag:$0x1] =	stream.linear.gather [hbm4b:s12+s2], $0x80, $0x38;
	[tilespmem:$0x2800] =	vst v63  }
0x6f: {  	s25 =	sadd.s32 $0x80, s12;
	s26 =	simm.s32 $0x1480  }
0x70: {  	[tilespmem:s26], [sflag:$0x1] =	stream.linear.gather [hbm4b:s25+s2], $0x80, $0x38;
	[tilespmem:$0x2800] =	vst v63  }
0x71: {  	s23 =	sadd.s32 $0x100, s12;
	s24 =	simm.s32 $0x1880  }
0x72: {  	[tilespmem:s24], [sflag:$0x1] =	stream.linear.gather [hbm4b:s23+s2], $0x80, $0x38;
	[tilespmem:$0x2800] =	vst v63  }
0x73: {  	s25 =	sadd.s32 $0x180, s12;
	s26 =	simm.s32 $0x1C80  }
0x74: {  	[tilespmem:s26], [sflag:$0x1] =	stream.linear.gather [hbm4b:s25+s2], $0x80, $0x38;
	[tilespmem:$0x2800] =	vst v63  }
0x75: {  	_ =	swait.ge [sflag:s31], $0x200  }
0x76: {  	[sflag:s31] =	ssyncset.done $0x0  }
0x77: {  	s3 =	simm.s32 $0x1100;
	[sflag:s31] =	ssyncadd.s32 $0xFFFFFE00  }
0x78: {  	[tilespmem:s3], [sflag:$0x1] =	stream.linear.gather [hbm4b:s13+s2], $0x80, $0x38;
	[tilespmem:$0x2800] =	vst v63  }
0x79: {  	s23 =	sadd.s32 $0x80, s13;
	s24 =	simm.s32 $0x1500  }
0x7a: {  	[tilespmem:s24], [sflag:$0x1] =	stream.linear.gather [hbm4b:s23+s2], $0x80, $0x38;
	[tilespmem:$0x2800] =	vst v63  }
0x7b: {  	s25 =	sadd.s32 $0x100, s13;
	s26 =	simm.s32 $0x1900  }
0x7c: {  	[tilespmem:s26], [sflag:$0x1] =	stream.linear.gather [hbm4b:s25+s2], $0x80, $0x38;
	[tilespmem:$0x2800] =	vst v63  }
0x7d: {  	s3 =	sadd.s32 $0x180, s13;
	s23 =	simm.s32 $0x1D00  }
0x7e: {  	[tilespmem:s23], [sflag:$0x1] =	stream.linear.gather [hbm4b:s3+s2], $0x80, $0x38;
	[tilespmem:$0x2800] =	vst v63  }
0x7f: {  	_ =	swait.ge [sflag:s31], $0x200  }
0x80: {  	[sflag:s31] =	ssyncset.done $0x0  }
0x81: {  	s24 =	simm.s32 $0x1180;
	[sflag:s31] =	ssyncadd.s32 $0xFFFFFE00  }
0x82: {  	[tilespmem:s24], [sflag:$0x1] =	stream.linear.gather [hbm4b:s14+s2], $0x80, $0x38;
	[tilespmem:$0x2800] =	vst v63  }
0x83: {  	s25 =	sadd.s32 $0x80, s14;
	s26 =	simm.s32 $0x1580  }
0x84: {  	[tilespmem:s26], [sflag:$0x1] =	stream.linear.gather [hbm4b:s25+s2], $0x80, $0x38;
	[tilespmem:$0x2800] =	vst v63  }
0x85: {  	s23 =	sadd.s32 $0x100, s14;
	s24 =	simm.s32 $0x1980  }
0x86: {  	[tilespmem:s24], [sflag:$0x1] =	stream.linear.gather [hbm4b:s23+s2], $0x80, $0x38;
	[tilespmem:$0x2800] =	vst v63  }
0x87: {  	s25 =	sadd.s32 $0x180, s14;
	s26 =	simm.s32 $0x1D80  }
0x88: {  	[tilespmem:s26], [sflag:$0x1] =	stream.linear.gather [hbm4b:s25+s2], $0x80, $0x38;
	[tilespmem:$0x2800] =	vst v63  }
0x89: {  	_ =	swait.ge [sflag:s31], $0x200  }
0x8a: {  	[sflag:s31] =	ssyncset.done $0x0  }
0x8b: {  	s3 =	simm.s32 $0x1200;
	[sflag:s31] =	ssyncadd.s32 $0xFFFFFE00  }
0x8c: {  	[tilespmem:s3], [sflag:$0x1] =	stream.linear.gather [hbm4b:s15+s2], $0x80, $0x38;
	[tilespmem:$0x2800] =	vst v63  }
0x8d: {  	s23 =	sadd.s32 $0x80, s15;
	s24 =	simm.s32 $0x1600  }
0x8e: {  	[tilespmem:s24], [sflag:$0x1] =	stream.linear.gather [hbm4b:s23+s2], $0x80, $0x38;
	[tilespmem:$0x2800] =	vst v63  }
0x8f: {  	s25 =	sadd.s32 $0x100, s15;
	s26 =	simm.s32 $0x1A00  }
0x90: {  	[tilespmem:s26], [sflag:$0x1] =	stream.linear.gather [hbm4b:s25+s2], $0x80, $0x38;
	[tilespmem:$0x2800] =	vst v63  }
0x91: {  	s3 =	sadd.s32 $0x180, s15;
	s23 =	simm.s32 $0x1E00  }
0x92: {  	[tilespmem:s23], [sflag:$0x1] =	stream.linear.gather [hbm4b:s3+s2], $0x80, $0x38;
	[tilespmem:$0x2800] =	vst v63  }
0x93: {  	_ =	swait.ge [sflag:s31], $0x200  }
0x94: {  	[sflag:s31] =	ssyncset.done $0x0  }
0x95: {  	s24 =	simm.s32 $0x1280;
	[sflag:s31] =	ssyncadd.s32 $0xFFFFFE00  }
0x96: {  	[tilespmem:s24], [sflag:$0x1] =	stream.linear.gather [hbm4b:s16+s2], $0x80, $0x38;
	[tilespmem:$0x2800] =	vst v63  }
0x97: {  	s25 =	sadd.s32 $0x80, s16;
	s26 =	simm.s32 $0x1680  }
0x98: {  	[tilespmem:s26], [sflag:$0x1] =	stream.linear.gather [hbm4b:s25+s2], $0x80, $0x38;
	[tilespmem:$0x2800] =	vst v63  }
0x99: {  	s23 =	sadd.s32 $0x100, s16;
	s24 =	simm.s32 $0x1A80  }
0x9a: {  	[tilespmem:s24], [sflag:$0x1] =	stream.linear.gather [hbm4b:s23+s2], $0x80, $0x38;
	[tilespmem:$0x2800] =	vst v63  }
0x9b: {  	s25 =	sadd.s32 $0x180, s16;
	s26 =	simm.s32 $0x1E80  }
0x9c: {  	[tilespmem:s26], [sflag:$0x1] =	stream.linear.gather [hbm4b:s25+s2], $0x80, $0x38;
	[tilespmem:$0x2800] =	vst v63  }
0x9d: {  	_ =	swait.ge [sflag:s31], $0x200  }
0x9e: {  	[sflag:s31] =	ssyncset.done $0x0  }
0x9f: {  	s3 =	simm.s32 $0x1300;
	[sflag:s31] =	ssyncadd.s32 $0xFFFFFE00  }
0xa0: {  	[tilespmem:s3], [sflag:$0x1] =	stream.linear.gather [hbm4b:s17+s2], $0x80, $0x38;
	[tilespmem:$0x2800] =	vst v63  }
0xa1: {  	s23 =	sadd.s32 $0x80, s17;
	s24 =	simm.s32 $0x1700  }
0xa2: {  	[tilespmem:s24], [sflag:$0x1] =	stream.linear.gather [hbm4b:s23+s2], $0x80, $0x38;
	[tilespmem:$0x2800] =	vst v63  }
0xa3: {  	s25 =	sadd.s32 $0x100, s17;
	s26 =	simm.s32 $0x1B00  }
0xa4: {  	[tilespmem:s26], [sflag:$0x1] =	stream.linear.gather [hbm4b:s25+s2], $0x80, $0x38;
	[tilespmem:$0x2800] =	vst v63  }
0xa5: {  	s3 =	sadd.s32 $0x180, s17;
	s23 =	simm.s32 $0x1F00  }
0xa6: {  	[tilespmem:s23], [sflag:$0x1] =	stream.linear.gather [hbm4b:s3+s2], $0x80, $0x38;
	[tilespmem:$0x2800] =	vst v63  }
0xa7: {  	_ =	swait.ge [sflag:s31], $0x200  }
0xa8: {  	[sflag:s31] =	ssyncset.done $0x0  }
0xa9: {  	s24 =	simm.s32 $0x1380;
	[sflag:s31] =	ssyncadd.s32 $0xFFFFFE00  }
0xaa: {  	[tilespmem:s24], [sflag:$0x1] =	stream.linear.gather [hbm4b:s18+s2], $0x80, $0x38;
	[tilespmem:$0x2800] =	vst v63  }
0xab: {  	s25 =	sadd.s32 $0x80, s18;
	s26 =	simm.s32 $0x1780  }
0xac: {  	[tilespmem:s26], [sflag:$0x1] =	stream.linear.gather [hbm4b:s25+s2], $0x80, $0x38;
	[tilespmem:$0x2800] =	vst v63  }
0xad: {  	s23 =	sadd.s32 $0x100, s18;
	s24 =	simm.s32 $0x1B80  }
0xae: {  	[tilespmem:s24], [sflag:$0x1] =	stream.linear.gather [hbm4b:s23+s2], $0x80, $0x38;
	[tilespmem:$0x2800] =	vst v63  }
0xaf: {  	s25 =	sadd.s32 $0x180, s18;
	s26 =	simm.s32 $0x1F80  }
0xb0: {  	[tilespmem:s26], [sflag:$0x1] =	stream.linear.gather [hbm4b:s25+s2], $0x80, $0x38;
	[tilespmem:$0x2800] =	vst v63  }
0xb1: {  	s23 =	simm.s32 $0x0;
	_ =	swait.ge [sflag:s31], $0x200  }
0xb2: {  	s24 =	sand.u32 $0x70, s2;
	s3 =	sand.u32 $0x3FFFFC00, s23;
	[sflag:s31] =	ssyncset.done $0x0  }
0xb3: {  	s3 =	sor.u32 s24, s3;
	[sflag:s31] =	ssyncadd.s32 $0xFFFFFE00  }
0xb4: {  	v1 =	vld [tilespmem:s3+$0x0]  }
0xb5: {  	v2 =	vld [tilespmem:s3+$0x80];
	_ =	sdelay $0x1  }
0xb6: {  	v3 =	vld [tilespmem:s3+$0x100];
	_ =	sdelay $0x1  }
0xb7: {  	v4 =	vld [tilespmem:s3+$0x180]  }
0xb8: {  	vm0 =	vgt.f32 v2, v1  }
0xb9: {  	v5 =	vld [tilespmem:s3+$0x200];
	v6 =	vsel vm0, v2, v1  }
0xba: {  	vm1 =	vgt.f32 v3, v6  }
0xbb: {  	v7 =	vld [tilespmem:s3+$0x280];
	v6 =	vsel vm1, v3, v6  }
0xbc: {  	vm2 =	vgt.f32 v4, v6  }
0xbd: {  	v8 =	vld [tilespmem:s3+$0x300];
	v6 =	vsel vm2, v4, v6  }
0xbe: {  	vm3 =	vgt.f32 v5, v6  }
0xbf: {  	v9 =	vld [tilespmem:s3+$0x380];
	v6 =	vsel vm3, v5, v6  }
0xc0: {  	vm4 =	vgt.f32 v7, v6  }
0xc1: {  	v10 =	vld [tilespmem:s3+$0x1000];
	v6 =	vsel vm4, v7, v6  }
0xc2: {  	vm5 =	vgt.f32 v8, v6  }
0xc3: {  	v11 =	vld [tilespmem:s3+$0x1080];
	v6 =	vsel vm5, v8, v6  }
0xc4: {  	vm6 =	vgt.f32 v9, v6  }
0xc5: {  	v12 =	vld [tilespmem:s3+$0x1100];
	v6 =	vsel vm6, v9, v6  }
0xc6: {  	vm7 =	vgt.f32 v10, v6  }
0xc7: {  	v13 =	vld [tilespmem:s3+$0x1180];
	v14 =	vsel vm0, $0x1, v0;
	v6 =	vsel vm7, v10, v6  }
0xc8: {  	v14 =	vsel vm1, $0x2, v14;
	vm10 =	vgt.f32 v11, v6  }
0xc9: {  	v15 =	vld [tilespmem:s3+$0x1200];
	v14 =	vsel vm2, $0x3, v14;
	v6 =	vsel vm10, v11, v6  }
0xca: {  	v14 =	vsel vm3, $0x4, v14;
	vm11 =	vgt.f32 v12, v6  }
0xcb: {  	v16 =	vld [tilespmem:s3+$0x1280];
	v14 =	vsel vm4, $0x5, v14;
	v6 =	vsel vm11, v12, v6  }
0xcc: {  	v14 =	vsel vm5, $0x6, v14;
	vm12 =	vgt.f32 v13, v6  }
0xcd: {  	v17 =	vld [tilespmem:s3+$0x1300];
	v14 =	vsel vm6, $0x7, v14;
	v6 =	vsel vm12, v13, v6  }
0xce: {  	v14 =	vsel vm7, $0x8, v14;
	vm13 =	vgt.f32 v15, v6  }
0xcf: {  	v18 =	vld [tilespmem:s3+$0x1380];
	v14 =	vsel vm10, $0x9, v14;
	v6 =	vsel vm13, v15, v6  }
0xd0: {  	v14 =	vsel vm11, $0xA, v14;
	vm14 =	vgt.f32 v16, v6  }
0xd1: {  	v14 =	vsel vm12, $0xB, v14;
	v6 =	vsel vm14, v16, v6  }
0xd2: {  	v14 =	vsel vm13, $0xC, v14;
	vm15 =	vgt.f32 v17, v6  }
0xd3: {  	v14 =	vsel vm14, $0xD, v14;
	v6 =	vsel vm15, v17, v6  }
0xd4: {  	v14 =	vsel vm15, $0xE, v14;
	vm4 =	vgt.f32 v18, v6  }
0xd5: {  	vm5 =	vlt.f32 v1, $-Inf;
	vm6 =	vgt.f32 v1, $-Inf;
	v14 =	vsel vm4, $0xF, v14  }
0xd6: {  	vm1 =	vmor vm6, vm5;
	vm7 =	vne.s32 v14, $0x0  }
0xd7: {  	vm1 =	vmand vm1, vm7  }
0xd8: {  	v1 =	vnsel vm1, $0xFF800000, v1  }
0xd9: {  	vm8 =	vne.s32 v14, $0x1;
	vm9 =	vgt.f32 v2, v1  }
0xda: {  	vm1 =	vmand vm8, vm9  }
0xdb: {  	v1 =	vsel vm1, v2, v1  }
0xdc: {  	vm10 =	vne.s32 v14, $0x2;
	vm11 =	vgt.f32 v3, v1  }
0xdd: {  	vm2 =	vmand vm10, vm11  }
0xde: {  	v1 =	vsel vm2, v3, v1  }
0xdf: {  	vm12 =	vne.s32 v14, $0x3;
	vm13 =	vgt.f32 v4, v1  }
0xe0: {  	vm3 =	vmand vm12, vm13  }
0xe1: {  	v1 =	vsel vm3, v4, v1  }
0xe2: {  	v19 =	vimm.s32 $0x0;
	vm14 =	vne.s32 v14, $0x4;
	vm15 =	vgt.f32 v5, v1  }
0xe3: {  	v19 =	vsel vm4, $0xFFFFFFFF, v19;
	vm4 =	vmand vm14, vm15  }
0xe4: {  	v1 =	vsel vm4, v5, v1  }
0xe5: {  	vm0 =	vne.s32 v14, $0x5;
	vm9 =	vgt.f32 v7, v1  }
0xe6: {  	vm5 =	vmand vm0, vm9  }
0xe7: {  	v1 =	vsel vm5, v7, v1  }
0xe8: {  	vm10 =	vne.s32 v14, $0x6;
	vm11 =	vgt.f32 v8, v1  }
0xe9: {  	vm6 =	vmand vm10, vm11  }
0xea: {  	v1 =	vsel vm6, v8, v1  }
0xeb: {  	vm12 =	vne.s32 v14, $0x7;
	vm8 =	vgt.f32 v9, v1  }
0xec: {  	vm7 =	vmand vm12, vm8  }
0xed: {  	v1 =	vsel vm7, v9, v1  }
0xee: {  	vm13 =	vne.s32 v14, $0x8;
	vm9 =	vgt.f32 v10, v1  }
0xef: {  	vm8 =	vmand vm13, vm9  }
0xf0: {  	v1 =	vsel vm8, v10, v1  }
0xf1: {  	vm14 =	vne.s32 v14, $0x9;
	vm10 =	vgt.f32 v11, v1  }
0xf2: {  	vm9 =	vmand vm14, vm10  }
0xf3: {  	v1 =	vsel vm9, v11, v1  }
0xf4: {  	vm15 =	vne.s32 v14, $0xA;
	vm11 =	vgt.f32 v12, v1  }
0xf5: {  	vm10 =	vmand vm15, vm11  }
0xf6: {  	v1 =	vsel vm10, v12, v1  }
0xf7: {  	vm0 =	vne.s32 v14, $0xB;
	vm12 =	vgt.f32 v13, v1  }
0xf8: {  	vm11 =	vmand vm0, vm12  }
0xf9: {  	v1 =	vsel vm11, v13, v1  }
0xfa: {  	vm0 =	vne.s32 v14, $0xC;
	vm13 =	vgt.f32 v15, v1  }
0xfb: {  	vm12 =	vmand vm0, vm13  }
0xfc: {  	v1 =	vsel vm12, v15, v1  }
0xfd: {  	vm0 =	vne.s32 v14, $0xD;
	vm14 =	vgt.f32 v16, v1  }
0xfe: {  	[tilespmem:$0x1FFF0] =	vst v19;
	vm13 =	vmand vm0, vm14  }
0xff: {  	v2 =	vld [tilespmem:$0x1FFF0];
	v1 =	vsel vm13, v16, v1  }
0x100: {  	vm0 =	vne.s32 v14, $0xE;
	vm15 =	vgt.f32 v17, v1  }
0x101: {  	vm14 =	vmand vm0, vm15  }
0x102: {  	v1 =	vsel vm14, v17, v1  }
0x103: {  	vm15 =	vne.s32 v14, $0xF;
	vm0 =	vgt.f32 v18, v1  }
0x104: {  	vm0 =	vmand vm15, vm0;
	vm15 =	vnez.u8 v2  }
0x105: {  	v2 =	vsel vm15, v18, v6;
	v1 =	vsel vm0, v18, v1  }
0x106: {  	v1 =	vsub.f32 v1, v2;
	_ =	sdelay $0x1  }
0x107: {  	v1 =	vmul.f32 $1.442695020e+00, v1;
	_ =	sdelay $0x1  }
0x108: {  	(erf) = vpow2.f32 v1;
	_ =	sdelay $0x5  }
0x109: {  	v1 =	vsel vm1, $0x1, v0  }
0x10a: {  	v1 =	vsel vm2, $0x2, v1  }
0x10b: {  	v1 =	vsel vm3, $0x3, v1  }
0x10c: {  	v1 =	vsel vm4, $0x4, v1;
	v2 =	vpop (erf)  }
0x10d: {  	v1 =	vsel vm5, $0x5, v1;
	v3 =	vadd.f32 $1.000000000e+00, v2  }
0x10e: {  	v1 =	vsel vm6, $0x6, v1  }
0x10f: {  	v1 =	vsel vm7, $0x7, v1;
	(erf) = vrcp.f32 v3  }
0x110: {  	v1 =	vsel vm8, $0x8, v1  }
0x111: {  	v1 =	vsel vm9, $0x9, v1  }
0x112: {  	v1 =	vsel vm10, $0xA, v1  }
0x113: {  	v1 =	vsel vm11, $0xB, v1  }
0x114: {  	s25 =	simm.s32 $0x0;
	v1 =	vsel vm12, $0xC, v1  }
0x115: {  	s3 =	sand.u32 $0xFFFFFF00, s25;
	v1 =	vsel vm13, $0xD, v1  }
0x116: {  	s3 =	sor.u32 s24, s3;
	v1 =	vsel vm14, $0xE, v1  }
0x117: {  	[tilespmem:s3+$0x2400] =	vst v14;
	v1 =	vsel vm0, $0xF, v1  }
0x118: {  	s29 =	simm.s32 $0x1;
	s30 =	simm.s32 $0x20;
	s26 =	simm.s32 $0x10;
	[tilespmem:s3+$0x2480] =	vst v1;
	v3 =	vpop (erf)  }
0x119: {  	s28 =	sand.u32 $0x70, s26;
	s25 =	simm.s32 $0x2;
	s24 =	simm.s32 $0x80;
	v1 =	vmul.f32 v3, v2;
	[tilespmem:s3+$0x2000] =	vst v3  }
.LBB2_2:
0x11a: {  	s23 =	sand.u32 $0x70, s30  }
0x11b: {  	s26 =	sand.u32 $0x3FFFFC00, s24;
	s24 =	smov.u32 s25;
	s0 =	sadd.s32 $0x1, s25  }
0x11c: {  	p0 =	sne.s32 s25, $0x1F;
	s25 =	sor.u32 s28, s26;
	[tilespmem:s3+$0x2080] =	vst v1  }
0x11d: {  	v14 =	vld [tilespmem:s25+$0x0]  }
0x11e: {  	v15 =	vld [tilespmem:s25+$0x80]  }
0x11f: {  	v16 =	vld [tilespmem:s25+$0x100];
	_ =	sdelay $0x1  }
0x120: {  	v17 =	vld [tilespmem:s25+$0x180]  }
0x121: {  	vm0 =	vlt.f32 v14, $-Inf;
	vm2 =	vgt.f32 v14, $-Inf  }
0x122: {  	v13 =	vld [tilespmem:s25+$0x200];
	vm1 =	vgt.f32 v15, v14;
	vm0 =	vmor vm2, vm0  }
0x123: {  	v1 =	vsel vm1, v15, v14  }
0x124: {  	v12 =	vld [tilespmem:s25+$0x280];
	vm2 =	vgt.f32 v16, v1  }
0x125: {  	v1 =	vsel vm2, v16, v1  }
0x126: {  	v10 =	vld [tilespmem:s25+$0x300];
	vm3 =	vgt.f32 v17, v1  }
0x127: {  	v1 =	vsel vm3, v17, v1  }
0x128: {  	v9 =	vld [tilespmem:s25+$0x380];
	vm4 =	vgt.f32 v13, v1  }
0x129: {  	v1 =	vsel vm4, v13, v1  }
0x12a: {  	v8 =	vld [tilespmem:s25+$0x1000];
	vm5 =	vgt.f32 v12, v1  }
0x12b: {  	v1 =	vsel vm5, v12, v1  }
0x12c: {  	v7 =	vld [tilespmem:s25+$0x1080];
	vm6 =	vgt.f32 v10, v1  }
0x12d: {  	v1 =	vsel vm6, v10, v1  }
0x12e: {  	v6 =	vld [tilespmem:s25+$0x1100];
	vm7 =	vgt.f32 v9, v1  }
0x12f: {  	v1 =	vsel vm7, v9, v1  }
0x130: {  	v2 =	vsel vm1, $0x1, v0;
	v3 =	vld [tilespmem:s25+$0x1180];
	vm1 =	vgt.f32 v8, v1  }
0x131: {  	v2 =	vsel vm2, $0x2, v2;
	v1 =	vsel vm1, v8, v1  }
0x132: {  	v2 =	vsel vm3, $0x3, v2;
	v4 =	vld [tilespmem:s25+$0x1200];
	vm2 =	vgt.f32 v7, v1  }
0x133: {  	v2 =	vsel vm4, $0x4, v2;
	v1 =	vsel vm2, v7, v1  }
0x134: {  	v2 =	vsel vm5, $0x5, v2;
	v5 =	vld [tilespmem:s25+$0x1280];
	vm3 =	vgt.f32 v6, v1  }
0x135: {  	v11 =	vsel vm6, $0x6, v2;
	v1 =	vsel vm3, v6, v1  }
0x136: {  	v11 =	vsel vm7, $0x7, v11;
	v2 =	vld [tilespmem:s25+$0x1300];
	vm4 =	vgt.f32 v3, v1  }
0x137: {  	v11 =	vsel vm1, $0x8, v11;
	v18 =	vsel vm4, v3, v1  }
0x138: {  	v11 =	vsel vm2, $0x9, v11;
	v1 =	vld [tilespmem:s25+$0x1380];
	vm1 =	vgt.f32 v4, v18  }
0x139: {  	v11 =	vsel vm3, $0xA, v11;
	v18 =	vsel vm1, v4, v18  }
0x13a: {  	v11 =	vsel vm4, $0xB, v11;
	vm2 =	vgt.f32 v5, v18  }
0x13b: {  	v11 =	vsel vm1, $0xC, v11;
	v18 =	vsel vm2, v5, v18  }
0x13c: {  	v11 =	vsel vm2, $0xD, v11;
	vm1 =	vgt.f32 v2, v18  }
0x13d: {  	s3 =	sshll.u32 s29, $0x5;
	s29 =	smov.u32 s24;
	v18 =	vsel vm1, v2, v18;
	v19 =	vsel vm1, $0xE, v11  }
0x13e: {  	s3 =	sand.u32 $0xFFFFFF00, s3;
	vm1 =	vgt.f32 v1, v18  }
0x13f: {  	s3 =	sor.u32 s28, s3;
	s28 =	smov.u32 s23;
	v11 =	vsel vm1, v1, v18;
	v18 =	vsel vm1, $0xF, v19  }
0x140: {  	vm1 =	vne.s32 v18, $0x0;
	[tilespmem:s3+$0x2400] =	vst v18  }
0x141: {  	vm0 =	vmand vm0, vm1  }
0x142: {  	v14 =	vnsel vm0, $0xFF800000, v14;
	vm0 =	vne.s32 v18, $0x1  }
0x143: {  	vm1 =	vgt.f32 v15, v14  }
0x144: {  	vm0 =	vmand vm0, vm1  }
0x145: {  	vm1 =	vne.s32 v18, $0x2;
	v14 =	vsel vm0, v15, v14  }
0x146: {  	vm2 =	vgt.f32 v16, v14  }
0x147: {  	vm1 =	vmand vm1, vm2  }
0x148: {  	vm2 =	vne.s32 v18, $0x3;
	v14 =	vsel vm1, v16, v14  }
0x149: {  	vm3 =	vgt.f32 v17, v14  }
0x14a: {  	vm2 =	vmand vm2, vm3  }
0x14b: {  	v15 =	vsel vm0, $0x1, v0;
	vm0 =	vne.s32 v18, $0x4;
	v14 =	vsel vm2, v17, v14  }
0x14c: {  	v15 =	vsel vm1, $0x2, v15;
	vm1 =	vgt.f32 v13, v14  }
0x14d: {  	v15 =	vsel vm2, $0x3, v15;
	vm0 =	vmand vm0, vm1  }
0x14e: {  	v13 =	vsel vm0, v13, v14;
	v14 =	vsel vm0, $0x4, v15;
	vm0 =	vne.s32 v18, $0x5  }
0x14f: {  	vm1 =	vgt.f32 v12, v13  }
0x150: {  	vm0 =	vmand vm0, vm1  }
0x151: {  	v12 =	vsel vm0, v12, v13;
	v13 =	vsel vm0, $0x5, v14;
	vm0 =	vne.s32 v18, $0x6  }
0x152: {  	vm1 =	vgt.f32 v10, v12  }
0x153: {  	vm0 =	vmand vm0, vm1  }
0x154: {  	vm1 =	vne.s32 v18, $0x7;
	v10 =	vsel vm0, v10, v12  }
0x155: {  	vm2 =	vgt.f32 v9, v10  }
0x156: {  	vm1 =	vmand vm1, vm2  }
0x157: {  	vm2 =	vne.s32 v18, $0x8;
	v9 =	vsel vm1, v9, v10  }
0x158: {  	vm3 =	vgt.f32 v8, v9  }
0x159: {  	vm2 =	vmand vm2, vm3  }
0x15a: {  	v10 =	vsel vm0, $0x6, v13;
	vm0 =	vne.s32 v18, $0x9;
	v8 =	vsel vm2, v8, v9  }
0x15b: {  	v9 =	vsel vm1, $0x7, v10;
	vm1 =	vgt.f32 v7, v8  }
0x15c: {  	v9 =	vsel vm2, $0x8, v9;
	vm0 =	vmand vm0, vm1  }
0x15d: {  	v7 =	vsel vm0, v7, v8;
	v8 =	vsel vm0, $0x9, v9;
	vm0 =	vne.s32 v18, $0xA  }
0x15e: {  	vm1 =	vgt.f32 v6, v7  }
0x15f: {  	vm0 =	vmand vm0, vm1  }
0x160: {  	v6 =	vsel vm0, v6, v7;
	v7 =	vsel vm0, $0xA, v8;
	vm0 =	vne.s32 v18, $0xB  }
0x161: {  	vm1 =	vgt.f32 v3, v6  }
0x162: {  	vm0 =	vmand vm0, vm1  }
0x163: {  	vm1 =	vne.s32 v18, $0xC;
	v3 =	vsel vm0, v3, v6  }
0x164: {  	vm2 =	vgt.f32 v4, v3  }
0x165: {  	vm1 =	vmand vm1, vm2  }
0x166: {  	vm2 =	vne.s32 v18, $0xD;
	v3 =	vsel vm1, v4, v3  }
0x167: {  	vm3 =	vgt.f32 v5, v3  }
0x168: {  	vm2 =	vmand vm2, vm3  }
0x169: {  	vm3 =	vne.s32 v18, $0xE;
	v3 =	vsel vm2, v5, v3  }
0x16a: {  	vm4 =	vgt.f32 v2, v3  }
0x16b: {  	v4 =	vsel vm0, $0xB, v7;
	vm0 =	vmand vm3, vm4  }
0x16c: {  	v4 =	vsel vm1, $0xC, v4;
	vm1 =	vne.s32 v18, $0xF;
	v2 =	vsel vm0, v2, v3  }
0x16d: {  	v3 =	vsel vm2, $0xD, v4;
	vm2 =	vgt.f32 v1, v2  }
0x16e: {  	v3 =	vsel vm0, $0xE, v3;
	vm0 =	vmand vm1, vm2  }
0x16f: {  	v1 =	vsel vm0, v1, v2;
	v2 =	vsel vm0, $0xF, v3  }
0x170: {  	v1 =	vsub.f32 v1, v11;
	[tilespmem:s3+$0x2480] =	vst v2;
	_ =	sdelay $0x1  }
0x171: {  	v1 =	vmul.f32 $1.442695020e+00, v1;
	_ =	sdelay $0x1  }
0x172: {  	(erf) = vpow2.f32 v1;
	_ =	sdelay $0x8  }
0x173: {  	v1 =	vpop (erf)  }
0x174: {  	v2 =	vadd.f32 $1.000000000e+00, v1;
	_ =	sdelay $0x1  }
0x175: {  	(erf) = vrcp.f32 v2;
	_ =	sdelay $0x5  }
.Ltmp0:
0x176: {  	(pc) =	sbr.rel @p0 .LBB2_2-.Ltmp0, $3  }
0x177: {  	_ =	sdelay $0x1  }
0x178: {  	v2 =	vpop (erf)  }
0x179: {  	s30 =	sadd.s32 $0x10, s30;
	s24 =	sshll.u32 s29, $0x7;
	s25 =	smov.u32 s0;
	v1 =	vmul.f32 v2, v1;
	[tilespmem:s3+$0x2000] =	vst v2  }
0x17a: {  	s0 =	sand.u32 $0x3FFFFC00, s24  }
0x17b: {  	[tilespmem:s3+$0x2080] =	vst v1;
	s0 =	sor.u32 s28, s0  }
0x17c: {  	v1 =	vld [tilespmem:s0+$0x0]  }
0x17d: {  	v2 =	vld [tilespmem:s0+$0x80];
	_ =	sdelay $0x1  }
0x17e: {  	v3 =	vld [tilespmem:s0+$0x100];
	_ =	sdelay $0x1  }
0x17f: {  	v4 =	vld [tilespmem:s0+$0x180]  }
0x180: {  	vm0 =	vgt.f32 v2, v1  }
0x181: {  	v5 =	vld [tilespmem:s0+$0x200];
	v6 =	vsel vm0, v2, v1  }
0x182: {  	vm1 =	vgt.f32 v3, v6  }
0x183: {  	v7 =	vld [tilespmem:s0+$0x280];
	v6 =	vsel vm1, v3, v6  }
0x184: {  	vm2 =	vgt.f32 v4, v6  }
0x185: {  	v8 =	vld [tilespmem:s0+$0x300];
	v6 =	vsel vm2, v4, v6  }
0x186: {  	vm3 =	vgt.f32 v5, v6  }
0x187: {  	v9 =	vld [tilespmem:s0+$0x380];
	v6 =	vsel vm3, v5, v6  }
0x188: {  	vm4 =	vgt.f32 v7, v6  }
0x189: {  	v10 =	vld [tilespmem:s0+$0x1000];
	v6 =	vsel vm4, v7, v6  }
0x18a: {  	vm5 =	vgt.f32 v8, v6  }
0x18b: {  	v11 =	vld [tilespmem:s0+$0x1080];
	v6 =	vsel vm5, v8, v6  }
0x18c: {  	vm6 =	vgt.f32 v9, v6  }
0x18d: {  	v12 =	vld [tilespmem:s0+$0x1100];
	v6 =	vsel vm6, v9, v6  }
0x18e: {  	vm7 =	vgt.f32 v10, v6  }
0x18f: {  	v13 =	vld [tilespmem:s0+$0x1180];
	v14 =	vsel vm0, $0x1, v0;
	v6 =	vsel vm7, v10, v6  }
0x190: {  	v14 =	vsel vm1, $0x2, v14;
	vm10 =	vgt.f32 v11, v6  }
0x191: {  	v15 =	vld [tilespmem:s0+$0x1200];
	v14 =	vsel vm2, $0x3, v14;
	v6 =	vsel vm10, v11, v6  }
0x192: {  	v14 =	vsel vm3, $0x4, v14;
	vm11 =	vgt.f32 v12, v6  }
0x193: {  	v16 =	vld [tilespmem:s0+$0x1280];
	v14 =	vsel vm4, $0x5, v14;
	v6 =	vsel vm11, v12, v6  }
0x194: {  	v14 =	vsel vm5, $0x6, v14;
	vm12 =	vgt.f32 v13, v6  }
0x195: {  	v17 =	vld [tilespmem:s0+$0x1300];
	v14 =	vsel vm6, $0x7, v14;
	v6 =	vsel vm12, v13, v6  }
0x196: {  	v14 =	vsel vm7, $0x8, v14;
	vm13 =	vgt.f32 v15, v6  }
0x197: {  	v18 =	vld [tilespmem:s0+$0x1380];
	v14 =	vsel vm10, $0x9, v14;
	v6 =	vsel vm13, v15, v6  }
0x198: {  	v14 =	vsel vm11, $0xA, v14;
	vm14 =	vgt.f32 v16, v6  }
0x199: {  	v14 =	vsel vm12, $0xB, v14;
	v6 =	vsel vm14, v16, v6  }
0x19a: {  	v14 =	vsel vm13, $0xC, v14;
	vm15 =	vgt.f32 v17, v6  }
0x19b: {  	v14 =	vsel vm14, $0xD, v14;
	v6 =	vsel vm15, v17, v6  }
0x19c: {  	v14 =	vsel vm15, $0xE, v14;
	vm4 =	vgt.f32 v18, v6  }
0x19d: {  	vm5 =	vlt.f32 v1, $-Inf;
	vm6 =	vgt.f32 v1, $-Inf;
	v14 =	vsel vm4, $0xF, v14  }
0x19e: {  	vm1 =	vmor vm6, vm5;
	vm7 =	vne.s32 v14, $0x0  }
0x19f: {  	vm1 =	vmand vm1, vm7  }
0x1a0: {  	v1 =	vnsel vm1, $0xFF800000, v1  }
0x1a1: {  	vm8 =	vne.s32 v14, $0x1;
	vm9 =	vgt.f32 v2, v1  }
0x1a2: {  	vm1 =	vmand vm8, vm9  }
0x1a3: {  	v1 =	vsel vm1, v2, v1  }
0x1a4: {  	vm10 =	vne.s32 v14, $0x2;
	vm11 =	vgt.f32 v3, v1  }
0x1a5: {  	vm2 =	vmand vm10, vm11  }
0x1a6: {  	v1 =	vsel vm2, v3, v1  }
0x1a7: {  	vm12 =	vne.s32 v14, $0x3;
	vm13 =	vgt.f32 v4, v1  }
0x1a8: {  	vm3 =	vmand vm12, vm13  }
0x1a9: {  	v1 =	vsel vm3, v4, v1  }
0x1aa: {  	v19 =	vimm.s32 $0x0;
	vm14 =	vne.s32 v14, $0x4;
	vm15 =	vgt.f32 v5, v1  }
0x1ab: {  	v19 =	vsel vm4, $0xFFFFFFFF, v19;
	vm4 =	vmand vm14, vm15  }
0x1ac: {  	v1 =	vsel vm4, v5, v1  }
0x1ad: {  	vm0 =	vne.s32 v14, $0x5;
	vm9 =	vgt.f32 v7, v1  }
0x1ae: {  	vm5 =	vmand vm0, vm9  }
0x1af: {  	v1 =	vsel vm5, v7, v1  }
0x1b0: {  	vm10 =	vne.s32 v14, $0x6;
	vm11 =	vgt.f32 v8, v1  }
0x1b1: {  	vm6 =	vmand vm10, vm11  }
0x1b2: {  	v1 =	vsel vm6, v8, v1  }
0x1b3: {  	vm12 =	vne.s32 v14, $0x7;
	vm8 =	vgt.f32 v9, v1  }
0x1b4: {  	vm7 =	vmand vm12, vm8  }
0x1b5: {  	v1 =	vsel vm7, v9, v1  }
0x1b6: {  	vm13 =	vne.s32 v14, $0x8;
	vm9 =	vgt.f32 v10, v1  }
0x1b7: {  	vm8 =	vmand vm13, vm9  }
0x1b8: {  	v1 =	vsel vm8, v10, v1  }
0x1b9: {  	vm14 =	vne.s32 v14, $0x9;
	vm10 =	vgt.f32 v11, v1  }
0x1ba: {  	vm9 =	vmand vm14, vm10  }
0x1bb: {  	v1 =	vsel vm9, v11, v1  }
0x1bc: {  	vm15 =	vne.s32 v14, $0xA;
	vm11 =	vgt.f32 v12, v1  }
0x1bd: {  	vm10 =	vmand vm15, vm11  }
0x1be: {  	v1 =	vsel vm10, v12, v1  }
0x1bf: {  	vm0 =	vne.s32 v14, $0xB;
	vm12 =	vgt.f32 v13, v1  }
0x1c0: {  	vm11 =	vmand vm0, vm12  }
0x1c1: {  	v1 =	vsel vm11, v13, v1  }
0x1c2: {  	vm0 =	vne.s32 v14, $0xC;
	vm13 =	vgt.f32 v15, v1  }
0x1c3: {  	vm12 =	vmand vm0, vm13  }
0x1c4: {  	v1 =	vsel vm12, v15, v1  }
0x1c5: {  	vm0 =	vne.s32 v14, $0xD;
	vm14 =	vgt.f32 v16, v1  }
0x1c6: {  	[tilespmem:$0x1FFE0] =	vst v19;
	vm13 =	vmand vm0, vm14  }
0x1c7: {  	v2 =	vld [tilespmem:$0x1FFE0];
	v1 =	vsel vm13, v16, v1  }
0x1c8: {  	vm0 =	vne.s32 v14, $0xE;
	vm15 =	vgt.f32 v17, v1  }
0x1c9: {  	vm14 =	vmand vm0, vm15  }
0x1ca: {  	v1 =	vsel vm14, v17, v1  }
0x1cb: {  	vm15 =	vne.s32 v14, $0xF;
	vm0 =	vgt.f32 v18, v1  }
0x1cc: {  	vm0 =	vmand vm15, vm0;
	vm15 =	vnez.u8 v2  }
0x1cd: {  	v2 =	vsel vm15, v18, v6;
	v1 =	vsel vm0, v18, v1  }
0x1ce: {  	v1 =	vsub.f32 v1, v2;
	_ =	sdelay $0x1  }
0x1cf: {  	v1 =	vmul.f32 $1.442695020e+00, v1;
	_ =	sdelay $0x1  }
0x1d0: {  	(erf) = vpow2.f32 v1;
	_ =	sdelay $0x6  }
0x1d1: {  	v1 =	vsel vm1, $0x1, v0  }
0x1d2: {  	v1 =	vsel vm2, $0x2, v1  }
0x1d3: {  	v1 =	vsel vm3, $0x3, v1;
	v2 =	vpop (erf)  }
0x1d4: {  	v1 =	vsel vm4, $0x4, v1;
	v3 =	vadd.f32 $1.000000000e+00, v2  }
0x1d5: {  	v1 =	vsel vm5, $0x5, v1  }
0x1d6: {  	v1 =	vsel vm6, $0x6, v1;
	(erf) = vrcp.f32 v3  }
0x1d7: {  	v1 =	vsel vm7, $0x7, v1  }
0x1d8: {  	v1 =	vsel vm8, $0x8, v1  }
0x1d9: {  	v1 =	vsel vm9, $0x9, v1  }
0x1da: {  	v1 =	vsel vm10, $0xA, v1  }
0x1db: {  	v1 =	vsel vm11, $0xB, v1  }
0x1dc: {  	s3 =	sshll.u32 s29, $0x5;
	v1 =	vsel vm12, $0xC, v1  }
0x1dd: {  	s0 =	sand.u32 $0xFFFFFF00, s3;
	v1 =	vsel vm13, $0xD, v1  }
0x1de: {  	s0 =	sor.u32 s28, s0;
	v1 =	vsel vm14, $0xE, v1  }
0x1df: {  	[tilespmem:s0+$0x2400] =	vst v14;
	v1 =	vsel vm0, $0xF, v1;
	v3 =	vpop (erf)  }
0x1e0: {  	[tilespmem:s0+$0x2480] =	vst v1;
	v1 =	vmul.f32 v3, v2  }
0x1e1: {  	[tilespmem:s0+$0x2000] =	vst v3  }
0x1e2: {  	s23 =	simm.s32 $0x2000;
	[tilespmem:s0+$0x2080] =	vst v1  }
0x1e3: {  	[hbm4b:s19+s2] =	stream.linear.scatter [tilespmem:s23], [sflag:$0x1], $0x80, $0x38;
	[tilespmem:$0x2800] =	vst v63  }
0x1e4: {  	s24 =	sadd.s32 $0x20, s19;
	s25 =	simm.s32 $0x2100  }
0x1e5: {  	[hbm4b:s24+s2] =	stream.linear.scatter [tilespmem:s25], [sflag:$0x1], $0x80, $0x38;
	[tilespmem:$0x2800] =	vst v63  }
0x1e6: {  	s26 =	sadd.s32 $0x40, s19;
	s28 =	simm.s32 $0x2200  }
0x1e7: {  	[hbm4b:s26+s2] =	stream.linear.scatter [tilespmem:s28], [sflag:$0x1], $0x80, $0x38;
	[tilespmem:$0x2800] =	vst v63  }
0x1e8: {  	s30 =	simm.s32 $0x2300;
	s29 =	sadd.s32 $0x60, s19  }
0x1e9: {  	[hbm4b:s29+s2] =	stream.linear.scatter [tilespmem:s30], [sflag:$0x1], $0x80, $0x38;
	[tilespmem:$0x2800] =	vst v63  }
0x1ea: {  	_ =	swait.ge [sflag:s31], $0x200  }
0x1eb: {  	[sflag:s31] =	ssyncset.done $0x0  }
0x1ec: {  	s23 =	simm.s32 $0x2400;
	[sflag:s31] =	ssyncadd.s32 $0xFFFFFE00  }
0x1ed: {  	[hbm4b:s20+s2] =	stream.linear.scatter [tilespmem:s23], [sflag:$0x1], $0x80, $0x38;
	[tilespmem:$0x2800] =	vst v63  }
0x1ee: {  	s24 =	sadd.s32 $0x20, s20;
	s25 =	simm.s32 $0x2500  }
0x1ef: {  	[hbm4b:s24+s2] =	stream.linear.scatter [tilespmem:s25], [sflag:$0x1], $0x80, $0x38;
	[tilespmem:$0x2800] =	vst v63  }
0x1f0: {  	s26 =	sadd.s32 $0x40, s20;
	s28 =	simm.s32 $0x2600  }
0x1f1: {  	[hbm4b:s26+s2] =	stream.linear.scatter [tilespmem:s28], [sflag:$0x1], $0x80, $0x38;
	[tilespmem:$0x2800] =	vst v63  }
0x1f2: {  	s29 =	sadd.s32 $0x60, s20;
	s30 =	simm.s32 $0x2700  }
0x1f3: {  	[hbm4b:s29+s2] =	stream.linear.scatter [tilespmem:s30], [sflag:$0x1], $0x80, $0x38;
	[tilespmem:$0x2800] =	vst v63  }
0x1f4: {  	_ =	swait.ge [sflag:s31], $0x200  }
0x1f5: {  	[sflag:s31] =	ssyncset.done $0x0  }
0x1f6: {  	s23 =	simm.s32 $0x2080;
	[sflag:s31] =	ssyncadd.s32 $0xFFFFFE00  }
0x1f7: {  	[hbm4b:s21+s2] =	stream.linear.scatter [tilespmem:s23], [sflag:$0x1], $0x80, $0x38;
	[tilespmem:$0x2800] =	vst v63  }
0x1f8: {  	s24 =	sadd.s32 $0x20, s21;
	s25 =	simm.s32 $0x2180  }
0x1f9: {  	[hbm4b:s24+s2] =	stream.linear.scatter [tilespmem:s25], [sflag:$0x1], $0x80, $0x38;
	[tilespmem:$0x2800] =	vst v63  }
0x1fa: {  	s26 =	sadd.s32 $0x40, s21;
	s28 =	simm.s32 $0x2280  }
0x1fb: {  	[hbm4b:s26+s2] =	stream.linear.scatter [tilespmem:s28], [sflag:$0x1], $0x80, $0x38;
	[tilespmem:$0x2800] =	vst v63  }
0x1fc: {  	s29 =	sadd.s32 $0x60, s21;
	s30 =	simm.s32 $0x2380  }
0x1fd: {  	[hbm4b:s29+s2] =	stream.linear.scatter [tilespmem:s30], [sflag:$0x1], $0x80, $0x38;
	[tilespmem:$0x2800] =	vst v63  }
0x1fe: {  	_ =	swait.ge [sflag:s31], $0x200  }
0x1ff: {  	[sflag:s31] =	ssyncset.done $0x0  }
0x200: {  	s3 =	simm.s32 $0x2480;
	[sflag:s31] =	ssyncadd.s32 $0xFFFFFE00  }
0x201: {  	[hbm4b:s22+s2] =	stream.linear.scatter [tilespmem:s3], [sflag:$0x1], $0x80, $0x38;
	[tilespmem:$0x2800] =	vst v63  }
0x202: {  	s23 =	sadd.s32 $0x20, s22;
	s24 =	simm.s32 $0x2580  }
0x203: {  	[hbm4b:s23+s2] =	stream.linear.scatter [tilespmem:s24], [sflag:$0x1], $0x80, $0x38;
	[tilespmem:$0x2800] =	vst v63  }
0x204: {  	s25 =	sadd.s32 $0x40, s22;
	s26 =	simm.s32 $0x2680  }
0x205: {  	[hbm4b:s25+s2] =	stream.linear.scatter [tilespmem:s26], [sflag:$0x1], $0x80, $0x38;
	[tilespmem:$0x2800] =	vst v63  }
0x206: {  	s28 =	sadd.s32 $0x60, s22;
	s29 =	simm.s32 $0x2780  }
0x207: {  	[hbm4b:s28+s2] =	stream.linear.scatter [tilespmem:s29], [sflag:$0x1], $0x80, $0x38;
	[tilespmem:$0x2800] =	vst v63  }
0x208: {  	_ =	swait.ge [sflag:s31], $0x200  }
0x209: {  	s1 =	sadd.s32 $0x1, s1;
	s30 =	rddreg [dreg:$0x5]  }
0x20a: {  	p0 =	sne.s32 s1, s30  }
.Ltmp1:
0x20b: {  	_ = 	snop;
	(pc) =	sbr.rel @p0 .LBB2_1-.Ltmp1, $3  }
0x20c: {  	_ =	sdelay $0x1  }
0x20d: {  	[sflag:s31] =	ssyncset.done $0x0  }
0x20e: {  	[sflag:s31] =	ssyncadd.s32 $0xFFFFFE00  }
0x20f: {  	_ =	sfence.sel $0x180000  }
0x210: {  	[bflag:$0x0] =	sbarrier.arrive $0xFFFF  }
0x211: {  	_ =	strace $0x90000047  }
0x212: {  	s0 =	stileid.u32;
	[bflag:$0x2] =	sbarrier.arrive $0xFFFF  }
0x213: {  	p0 =	sne.s32 s0, $0x0;
	s0 =	rddreg [dreg:$0x3]  }
0x214: {  	s0 =	sadd.s32 @!p0 $0x100000, s0  }
0x215: {  	[sflag:s0] =	ssyncadd.tile.s32 @!p0 $0x1;
	_ =	shalt  }
.Lfunc_end2:
_tile_overlayer_lowered:
.L_overlay_start_2:
0x216: {  	(tag) =	ssettag $0x2  }
0x217: {  	s0 =	rddreg [dreg:$0x0];
	s2 =	stileid.u32  }
0x218: {  	s1 =	rddreg [dreg:$0x1];
	p0 =	sne.s32 s2, $0x0  }
0x219: {  	s3 =	rddreg [dreg:$0x2];
	[bflag:$0x3] =	sbarrier.arrive $0xFFFF;
	s2 =	simm.s32 @!p0 $0x1C01  }
0x21a: {  	[timem:s3], [sflag:s2] =	dma.local @!p0 [hbm:s0], s1  }
0x21b: {  	s0 =	simm.s32 @!p0 $0x1  }
0x21c: {  	_ =	swait.ge @!p0 [sflag:s0], s1  }
0x21d: {  	s1 =	ssub.s32 @!p0 $0x0, s1;
	[sflag:s0] =	ssyncset.done @!p0 $0x0  }
0x21e: {  	[sflag:s0] =	ssyncadd.s32 @!p0 s1  }
0x21f: {  	[bflag:$0x3] =	sbarrier.arrive $0xFFFF  }
0x220: {  	_ =	shalt  }

</sc_bundles>
